<compile_context>
chip_gen: v7x
topology: tpu7x:2x2x1
jax: 0.10.2.dev20260603
libtpu: 0.0.44.dev20260713+nightly
codegen_flags: <defaults>
</compile_context>

<pallas_src>
import functools

import jax
import jax.numpy as jnp
from jax import lax
from jax.experimental import pallas as pl
from jax.experimental.pallas import tpu as pltpu
from jax.experimental.pallas import tpu_sc as plsc

_N_IN = 64
_N_OUT = 32
_TILE = 8192
_L = 16


_UNROLL = 4


def _sc_body(n_edges, n_cores, n_workers, src_hbm, dst_hbm, w_hbm, ac_hbm,
             src_v, dst_v, w_v, acc_v, row_v, sem0, sem1, sem2):
    wid = lax.axis_index("s") * n_cores + lax.axis_index("c")
    c0 = pltpu.async_copy(src_hbm, src_v, sem0)
    c1 = pltpu.async_copy(dst_hbm, dst_v, sem1)
    c2 = pltpu.async_copy(w_hbm, w_v, sem2)
    c0.wait()
    c1.wait()
    c2.wait()
    lanes = lax.iota(jnp.int32, _L)
    rpw = _N_OUT // n_workers
    n0 = wid * rpw
    width = rpw * _N_IN

    for j in range(_L * width // _L):
        acc_v[pl.ds(j * _L, _L)] = jnp.zeros((_L,), jnp.float32)

    def scan(i, cnts):
        for u in range(_UNROLL):
            off = (i * _UNROLL + u) * _L
            s = src_v[pl.ds(off, _L)]
            d = dst_v[pl.ds(off, _L)]
            ww = w_v[pl.ds(off, _L)]
            rel = d - n0
            m_d = (rel >= 0) & (rel < rpw)
            cnts = tuple(
                c + jnp.where(d == (n0 + r), 1.0, 0.0)
                for r, c in enumerate(cnts))
            m = m_d & (s < _N_IN)
            idx = (lanes * width + jnp.where(m, rel, 0) * _N_IN
                   + jnp.where(m, s, 0))
            plsc.addupdate_scatter(acc_v, [idx], jnp.where(m, ww, 0.0),
                                   mask=m)
        return cnts

    cnts = lax.fori_loop(
        0, n_edges // (_L * _UNROLL), scan,
        tuple(jnp.zeros((_L,), jnp.float32) for _ in range(rpw)))

    for r in range(rpw):
        for j in range(_N_IN // _L):
            acc = acc_v[pl.ds(r * _N_IN + j * _L, _L)]
            for l in range(1, _L):
                acc = acc + acc_v[pl.ds(l * width + r * _N_IN + j * _L, _L)]
            row_v[pl.ds(r * (_N_IN + _L) + j * _L, _L)] = acc
        row_v[pl.ds(r * (_N_IN + _L) + _N_IN, _L)] = cnts[r]

    blk = rpw * (_N_IN + _L)
    pltpu.sync_copy(row_v, ac_hbm.at[pl.ds(wid * blk, blk)])


def _sc_build(src, dst, w):
    e = src.shape[0]
    info = plsc.get_sparse_core_info()
    n_cores = 1
    nw = n_cores * info.num_subcores
    body = functools.partial(_sc_body, e, n_cores, nw)
    return pl.kernel(
        body,
        out_type=jax.ShapeDtypeStruct((_N_OUT * (_N_IN + _L),), jnp.float32),
        mesh=plsc.VectorSubcoreMesh(core_axis_name="c", subcore_axis_name="s",
                                    num_cores=1),
        scratch_types=[
            pltpu.VMEM((e,), jnp.int32),
            pltpu.VMEM((e,), jnp.int32),
            pltpu.VMEM((e,), jnp.float32),
            pltpu.VMEM((_L * (_N_OUT // nw) * _N_IN,), jnp.float32),
            pltpu.VMEM(((_N_OUT // nw) * (_N_IN + _L),), jnp.float32),
            pltpu.SemaphoreType.DMA,
            pltpu.SemaphoreType.DMA,
            pltpu.SemaphoreType.DMA,
        ],
        compiler_params=pltpu.CompilerParams(needs_layout_passes=False),
    )(src, dst, w)


def _tc_body(x_ref, ac_ref, b_ref, r_ref, o_ref):
    ac = ac_ref[...]
    a = ac[:, :_N_IN]
    m = (jnp.sum(ac[:, _N_IN:], axis=1)[None, :] > 0.0).astype(jnp.float32)
    z = b_ref[...] + r_ref[...] * jnp.dot(
        x_ref[...], a.T, preferred_element_type=jnp.float32)
    o_ref[...] = jax.nn.sigmoid(z) * m


def kernel(inputs, weights, biases, responses, src_col, dst_idx):
    b, n_in = inputs.shape
    e = weights.shape[0]
    ac_flat = _sc_build(src_col.astype(jnp.int32),
                        dst_idx.astype(jnp.int32), weights)
    ac = ac_flat.reshape(_N_OUT, n_in + _L)
    b2d = biases[:_N_OUT].reshape(1, _N_OUT)
    r2d = responses[:_N_OUT].reshape(1, _N_OUT)

    grid = (b // _TILE,)
    return pl.pallas_call(
        _tc_body,
        grid=grid,
        in_specs=[
            pl.BlockSpec((_TILE, n_in), lambda i: (i, 0)),
            pl.BlockSpec((_N_OUT, n_in + _L), lambda i: (0, 0)),
            pl.BlockSpec((1, _N_OUT), lambda i: (0, 0)),
            pl.BlockSpec((1, _N_OUT), lambda i: (0, 0)),
        ],
        out_specs=pl.BlockSpec((_TILE, _N_OUT), lambda i: (i, 0)),
        out_shape=jax.ShapeDtypeStruct((b, _N_OUT), inputs.dtype),
        compiler_params=pltpu.CompilerParams(
            dimension_semantics=("parallel",)),
    )(inputs, ac, b2d, r2d)

# --- scband reference (transcript-rebuilt; emitter-appended) ---
"""Pipeline reference for scband-recurrent-network-15848429323005 (READ-ONLY COPY).

The authoritative reference and input builder live on the scoring server;
editing this copy changes nothing except your own understanding.
"""

import jax, jax.numpy as jnp
import numpy as np

N_IN = 64
N_HID = 128
N_OUT = 32
N = N_OUT + N_HID  # 160 internal neurons, outputs occupy columns [0, N_OUT)
B = 16384


def _build_topology():
    # Deterministic NEAT-like connection graph.
    # src_col indexes into concat([inputs (B, N_IN), node_activs (B, N)], axis=1):
    #   input neuron -i       -> column (i-1)            in [0, N_IN)
    #   internal neuron k     -> column N_IN + idx(k)    in [N_IN, N_IN + N)
    rng = np.random.default_rng(0)
    src, dst = [], []
    for h in range(N_HID):
        d = N_OUT + h  # hidden neuron index in state vector
        for s in rng.choice(N_IN, size=16, replace=False):
            src.append(int(s)); dst.append(d)
        for s in rng.choice(N_HID, size=8, replace=False):
            src.append(N_IN + N_OUT + int(s)); dst.append(d)
    for o in range(N_OUT):
        for s in rng.choice(N_HID, size=32, replace=False):
            src.append(N_IN + N_OUT + int(s)); dst.append(o)
    return (np.asarray(src, dtype=np.int32), np.asarray(dst, dtype=np.int32))


def setup_inputs(seed: int = 0) -> dict:
    key = jax.random.key(seed)
    k1, k2, k3, k4 = jax.random.split(key, 4)
    src, dst = _build_topology()
    inputs = jax.random.normal(k1, (B, N_IN), dtype=jnp.float32)
    weights = jax.random.normal(k2, (src.shape[0],), dtype=jnp.float32) * 0.5
    biases = jax.random.normal(k3, (N,), dtype=jnp.float32) * 0.1
    responses = jnp.ones((N,), dtype=jnp.float32) + jax.random.normal(k4, (N,), dtype=jnp.float32) * 0.05
    return {
        "inputs": inputs,
        "weights": weights,
        "biases": biases,
        "responses": responses,
        "src_col": jnp.asarray(src),
        "dst_idx": jnp.asarray(dst),
    }


def reference(inputs, weights, biases, responses, src_col, dst_idx):
    # Faithful vectorization of RecurrentNetwork.activate(inputs, n_passes=1):
    #   node_activs initialized to zeros, then one forward pass where every
    #   internal neuron computes act(bias + response * sum_e(w_e * src_val_e)).
    # Recurrent edges read the zero-initialized state (contribute 0), exactly
    # as in the torch module's first pass.
    Bsz = inputs.shape[0]
    state = jnp.zeros((Bsz, N), dtype=inputs.dtype)  # self.node_activs
    vals = jnp.concatenate([inputs, state], axis=1)  # (B, N_IN + N)
    # gather per-edge source values, scale by connection weight
    msgs = weights[None, :] * jnp.take(vals, src_col, axis=1)  # (B, E)
    # aggregation == sum over incoming connections -> scatter-add by dst neuron
    agg = jax.ops.segment_sum(msgs.T, dst_idx, num_segments=N)  # (N, B)
    has_in = jax.ops.segment_sum(jnp.ones_like(weights), dst_idx, num_segments=N) > 0
    new_state = jax.nn.sigmoid(biases[:, None] + responses[:, None] * agg)  # (N, B)
    # neurons with no incoming connections output zeros (torch branch)
    new_state = jnp.where(has_in[:, None], new_state, 0.0).T  # (B, N)
    # after_pass_node_activs[:, output_neuron_ids]; outputs are columns 0..N_OUT-1
    return new_state[:, :N_OUT]

if __name__ == "__main__":
    import jax
    _d = setup_inputs()
    print(jax.jit(kernel)(*tuple(_d.values())))

</pallas_src>

<mosaic_0001>
#map = affine_map<(d0, d1) -> (0)>
module attributes {stable_mosaic.version = 14 : i64} {
  func.func @_sc_body(%arg0: i32, %arg1: i32, %arg2: memref<4096xi32, #tpu.memory_space<hbm>>, %arg3: memref<4096xi32, #tpu.memory_space<hbm>>, %arg4: memref<4096xf32, #tpu.memory_space<hbm>>, %arg5: memref<2560xf32, #tpu.memory_space<hbm>>, %arg6: memref<4096xi32, #tpu.memory_space<vmem>>, %arg7: memref<4096xi32, #tpu.memory_space<vmem>>, %arg8: memref<4096xf32, #tpu.memory_space<vmem>>, %arg9: memref<2048xf32, #tpu.memory_space<vmem>>, %arg10: memref<160xf32, #tpu.memory_space<vmem>>, %arg11: memref<!tpu.dma_semaphore, #tpu.memory_space<semaphore_mem>>, %arg12: memref<!tpu.dma_semaphore, #tpu.memory_space<semaphore_mem>>, %arg13: memref<!tpu.dma_semaphore, #tpu.memory_space<semaphore_mem>>) attributes {dimension_semantics = [#tpu.dimension_semantics<core_parallel>, #tpu.dimension_semantics<subcore_parallel>], iteration_bounds = array<i64: 1, 16>, scalar_prefetch = 0 : i64, scratch_operands = 8 : i64, tpu.core_type = #tpu.core_type<sc_vector_subcore>, window_params = [{transform_indices = #map}, {transform_indices = #map}, {transform_indices = #map}, {transform_indices = #map}]} {
    %mul3A = arith.constant 1 : i32
    %mul3A_0 = arith.muli %arg1, %mul3A : i32
    %add3A = arith.addi %mul3A_0, %arg0 : i32
    tpu.enqueue_dma source(%arg2 : memref<4096xi32, #tpu.memory_space<hbm>>) target(%arg6 : memref<4096xi32, #tpu.memory_space<vmem>>) target_semaphore(%arg11 : memref<!tpu.dma_semaphore, #tpu.memory_space<semaphore_mem>>)
    tpu.enqueue_dma source(%arg3 : memref<4096xi32, #tpu.memory_space<hbm>>) target(%arg7 : memref<4096xi32, #tpu.memory_space<vmem>>) target_semaphore(%arg12 : memref<!tpu.dma_semaphore, #tpu.memory_space<semaphore_mem>>)
    tpu.enqueue_dma source(%arg4 : memref<4096xf32, #tpu.memory_space<hbm>>) target(%arg8 : memref<4096xf32, #tpu.memory_space<vmem>>) target_semaphore(%arg13 : memref<!tpu.dma_semaphore, #tpu.memory_space<semaphore_mem>>)
    tpu.wait_dma2 semaphore(%arg11 : memref<!tpu.dma_semaphore, #tpu.memory_space<semaphore_mem>>) src(%arg2 : memref<4096xi32, #tpu.memory_space<hbm>>) dst(%arg6 : memref<4096xi32, #tpu.memory_space<vmem>>)
    tpu.wait_dma2 semaphore(%arg12 : memref<!tpu.dma_semaphore, #tpu.memory_space<semaphore_mem>>) src(%arg3 : memref<4096xi32, #tpu.memory_space<hbm>>) dst(%arg7 : memref<4096xi32, #tpu.memory_space<vmem>>)
    tpu.wait_dma2 semaphore(%arg13 : memref<!tpu.dma_semaphore, #tpu.memory_space<semaphore_mem>>) src(%arg4 : memref<4096xf32, #tpu.memory_space<hbm>>) dst(%arg8 : memref<4096xf32, #tpu.memory_space<vmem>>)
    %iota3A = tpu.iota {dimensions = array<i32: 0>} : vector<16xi32>
    %mul3A_1 = arith.constant 2 : i32
    %mul3A_2 = arith.muli %add3A, %mul3A_1 : i32
    %broadcast_in_dim3A = arith.constant 0.000000e+00 : f32
    %broadcast_in_dim3A_3 = vector.broadcast %broadcast_in_dim3A : f32 to vector<16xf32>
    %swap3A = arith.constant 0 : index
    %swap3A_4 = tpu.vector_load %arg9[%swap3A] {strides = array<i32>} : memref<2048xf32, #tpu.memory_space<vmem>>, vector<16xf32>,
    tpu.vector_store %arg9[%swap3A], %broadcast_in_dim3A_3 {strides = array<i32>} : memref<2048xf32, #tpu.memory_space<vmem>>, vector<16xf32>,
    %broadcast_in_dim3A_5 = arith.constant 0.000000e+00 : f32
    %broadcast_in_dim3A_6 = vector.broadcast %broadcast_in_dim3A_5 : f32 to vector<16xf32>
    %swap3A_7 = arith.constant 16 : index
    %swap3A_8 = tpu.vector_load %arg9[%swap3A_7] {strides = array<i32>} : memref<2048xf32, #tpu.memory_space<vmem>>, vector<16xf32>,
    tpu.vector_store %arg9[%swap3A_7], %broadcast_in_dim3A_6 {strides = array<i32>} : memref<2048xf32, #tpu.memory_space<vmem>>, vector<16xf32>,
    %broadcast_in_dim3A_9 = arith.constant 0.000000e+00 : f32
    %broadcast_in_dim3A_10 = vector.broadcast %broadcast_in_dim3A_9 : f32 to vector<16xf32>
    %swap3A_11 = arith.constant 32 : index
    %swap3A_12 = tpu.vector_load %arg9[%swap3A_11] {strides = array<i32>} : memref<2048xf32, #tpu.memory_space<vmem>>, vector<16xf32>,
    tpu.vector_store %arg9[%swap3A_11], %broadcast_in_dim3A_10 {strides = array<i32>} : memref<2048xf32, #tpu.memory_space<vmem>>, vector<16xf32>,
    %broadcast_in_dim3A_13 = arith.constant 0.000000e+00 : f32
    %broadcast_in_dim3A_14 = vector.broadcast %broadcast_in_dim3A_13 : f32 to vector<16xf32>
    %swap3A_15 = arith.constant 48 : index
    %swap3A_16 = tpu.vector_load %arg9[%swap3A_15] {strides = array<i32>} : memref<2048xf32, #tpu.memory_space<vmem>>, vector<16xf32>,
    tpu.vector_store %arg9[%swap3A_15], %broadcast_in_dim3A_14 {strides = array<i32>} : memref<2048xf32, #tpu.memory_space<vmem>>, vector<16xf32>,
    %broadcast_in_dim3A_17 = arith.constant 0.000000e+00 : f32
    %broadcast_in_dim3A_18 = vector.broadcast %broadcast_in_dim3A_17 : f32 to vector<16xf32>
    %swap3A_19 = arith.constant 64 : index
    %swap3A_20 = tpu.vector_load %arg9[%swap3A_19] {strides = array<i32>} : memref<2048xf32, #tpu.memory_space<vmem>>, vector<16xf32>,
    tpu.vector_store %arg9[%swap3A_19], %broadcast_in_dim3A_18 {strides = array<i32>} : memref<2048xf32, #tpu.memory_space<vmem>>, vector<16xf32>,
    %broadcast_in_dim3A_21 = arith.constant 0.000000e+00 : f32
    %broadcast_in_dim3A_22 = vector.broadcast %broadcast_in_dim3A_21 : f32 to vector<16xf32>
    %swap3A_23 = arith.constant 80 : index
    %swap3A_24 = tpu.vector_load %arg9[%swap3A_23] {strides = array<i32>} : memref<2048xf32, #tpu.memory_space<vmem>>, vector<16xf32>,
    tpu.vector_store %arg9[%swap3A_23], %broadcast_in_dim3A_22 {strides = array<i32>} : memref<2048xf32, #tpu.memory_space<vmem>>, vector<16xf32>,
    %broadcast_in_dim3A_25 = arith.constant 0.000000e+00 : f32
    %broadcast_in_dim3A_26 = vector.broadcast %broadcast_in_dim3A_25 : f32 to vector<16xf32>
    %swap3A_27 = arith.constant 96 : index
    %swap3A_28 = tpu.vector_load %arg9[%swap3A_27] {strides = array<i32>} : memref<2048xf32, #tpu.memory_space<vmem>>, vector<16xf32>,
    tpu.vector_store %arg9[%swap3A_27], %broadcast_in_dim3A_26 {strides = array<i32>} : memref<2048xf32, #tpu.memory_space<vmem>>, vector<16xf32>,
    %broadcast_in_dim3A_29 = arith.constant 0.000000e+00 : f32
    %broadcast_in_dim3A_30 = vector.broadcast %broadcast_in_dim3A_29 : f32 to vector<16xf32>
    %swap3A_31 = arith.constant 112 : index
    %swap3A_32 = tpu.vector_load %arg9[%swap3A_31] {strides = array<i32>} : memref<2048xf32, #tpu.memory_space<vmem>>, vector<16xf32>,
    tpu.vector_store %arg9[%swap3A_31], %broadcast_in_dim3A_30 {strides = array<i32>} : memref<2048xf32, #tpu.memory_space<vmem>>, vector<16xf32>,
    %broadcast_in_dim3A_33 = arith.constant 0.000000e+00 : f32
    %broadcast_in_dim3A_34 = vector.broadcast %broadcast_in_dim3A_33 : f32 to vector<16xf32>
    %swap3A_35 = arith.constant 128 : index
    %swap3A_36 = tpu.vector_load %arg9[%swap3A_35] {strides = array<i32>} : memref<2048xf32, #tpu.memory_space<vmem>>, vector<16xf32>,
    tpu.vector_store %arg9[%swap3A_35], %broadcast_in_dim3A_34 {strides = array<i32>} : memref<2048xf32, #tpu.memory_space<vmem>>, vector<16xf32>,
    %broadcast_in_dim3A_37 = arith.constant 0.000000e+00 : f32
    %broadcast_in_dim3A_38 = vector.broadcast %broadcast_in_dim3A_37 : f32 to vector<16xf32>
    %swap3A_39 = arith.constant 144 : index
    %swap3A_40 = tpu.vector_load %arg9[%swap3A_39] {strides = array<i32>} : memref<2048xf32, #tpu.memory_space<vmem>>, vector<16xf32>,
    tpu.vector_store %arg9[%swap3A_39], %broadcast_in_dim3A_38 {strides = array<i32>} : memref<2048xf32, #tpu.memory_space<vmem>>, vector<16xf32>,
    %broadcast_in_dim3A_41 = arith.constant 0.000000e+00 : f32
    %broadcast_in_dim3A_42 = vector.broadcast %broadcast_in_dim3A_41 : f32 to vector<16xf32>
    %swap3A_43 = arith.constant 160 : index
    %swap3A_44 = tpu.vector_load %arg9[%swap3A_43] {strides = array<i32>} : memref<2048xf32, #tpu.memory_space<vmem>>, vector<16xf32>,
    tpu.vector_store %arg9[%swap3A_43], %broadcast_in_dim3A_42 {strides = array<i32>} : memref<2048xf32, #tpu.memory_space<vmem>>, vector<16xf32>,
    %broadcast_in_dim3A_45 = arith.constant 0.000000e+00 : f32
    %broadcast_in_dim3A_46 = vector.broadcast %broadcast_in_dim3A_45 : f32 to vector<16xf32>
    %swap3A_47 = arith.constant 176 : index
    %swap3A_48 = tpu.vector_load %arg9[%swap3A_47] {strides = array<i32>} : memref<2048xf32, #tpu.memory_space<vmem>>, vector<16xf32>,
    tpu.vector_store %arg9[%swap3A_47], %broadcast_in_dim3A_46 {strides = array<i32>} : memref<2048xf32, #tpu.memory_space<vmem>>, vector<16xf32>,
    %broadcast_in_dim3A_49 = arith.constant 0.000000e+00 : f32
    %broadcast_in_dim3A_50 = vector.broadcast %broadcast_in_dim3A_49 : f32 to vector<16xf32>
    %swap3A_51 = arith.constant 192 : index
    %swap3A_52 = tpu.vector_load %arg9[%swap3A_51] {strides = array<i32>} : memref<2048xf32, #tpu.memory_space<vmem>>, vector<16xf32>,
    tpu.vector_store %arg9[%swap3A_51], %broadcast_in_dim3A_50 {strides = array<i32>} : memref<2048xf32, #tpu.memory_space<vmem>>, vector<16xf32>,
    %broadcast_in_dim3A_53 = arith.constant 0.000000e+00 : f32
    %broadcast_in_dim3A_54 = vector.broadcast %broadcast_in_dim3A_53 : f32 to vector<16xf32>
    %swap3A_55 = arith.constant 208 : index
    %swap3A_56 = tpu.vector_load %arg9[%swap3A_55] {strides = array<i32>} : memref<2048xf32, #tpu.memory_space<vmem>>, vector<16xf32>,
    tpu.vector_store %arg9[%swap3A_55], %broadcast_in_dim3A_54 {strides = array<i32>} : memref<2048xf32, #tpu.memory_space<vmem>>, vector<16xf32>,
    %broadcast_in_dim3A_57 = arith.constant 0.000000e+00 : f32
    %broadcast_in_dim3A_58 = vector.broadcast %broadcast_in_dim3A_57 : f32 to vector<16xf32>
    %swap3A_59 = arith.constant 224 : index
    %swap3A_60 = tpu.vector_load %arg9[%swap3A_59] {strides = array<i32>} : memref<2048xf32, #tpu.memory_space<vmem>>, vector<16xf32>,
    tpu.vector_store %arg9[%swap3A_59], %broadcast_in_dim3A_58 {strides = array<i32>} : memref<2048xf32, #tpu.memory_space<vmem>>, vector<16xf32>,
    %broadcast_in_dim3A_61 = arith.constant 0.000000e+00 : f32
    %broadcast_in_dim3A_62 = vector.broadcast %broadcast_in_dim3A_61 : f32 to vector<16xf32>
    %swap3A_63 = arith.constant 240 : index
    %swap3A_64 = tpu.vector_load %arg9[%swap3A_63] {strides = array<i32>} : memref<2048xf32, #tpu.memory_space<vmem>>, vector<16xf32>,
    tpu.vector_store %arg9[%swap3A_63], %broadcast_in_dim3A_62 {strides = array<i32>} : memref<2048xf32, #tpu.memory_space<vmem>>, vector<16xf32>,
    %broadcast_in_dim3A_65 = arith.constant 0.000000e+00 : f32
    %broadcast_in_dim3A_66 = vector.broadcast %broadcast_in_dim3A_65 : f32 to vector<16xf32>
    %swap3A_67 = arith.constant 256 : index
    %swap3A_68 = tpu.vector_load %arg9[%swap3A_67] {strides = array<i32>} : memref<2048xf32, #tpu.memory_space<vmem>>, vector<16xf32>,
    tpu.vector_store %arg9[%swap3A_67], %broadcast_in_dim3A_66 {strides = array<i32>} : memref<2048xf32, #tpu.memory_space<vmem>>, vector<16xf32>,
    %broadcast_in_dim3A_69 = arith.constant 0.000000e+00 : f32
    %broadcast_in_dim3A_70 = vector.broadcast %broadcast_in_dim3A_69 : f32 to vector<16xf32>
    %swap3A_71 = arith.constant 272 : index
    %swap3A_72 = tpu.vector_load %arg9[%swap3A_71] {strides = array<i32>} : memref<2048xf32, #tpu.memory_space<vmem>>, vector<16xf32>,
    tpu.vector_store %arg9[%swap3A_71], %broadcast_in_dim3A_70 {strides = array<i32>} : memref<2048xf32, #tpu.memory_space<vmem>>, vector<16xf32>,
    %broadcast_in_dim3A_73 = arith.constant 0.000000e+00 : f32
    %broadcast_in_dim3A_74 = vector.broadcast %broadcast_in_dim3A_73 : f32 to vector<16xf32>
    %swap3A_75 = arith.constant 288 : index
    %swap3A_76 = tpu.vector_load %arg9[%swap3A_75] {strides = array<i32>} : memref<2048xf32, #tpu.memory_space<vmem>>, vector<16xf32>,
    tpu.vector_store %arg9[%swap3A_75], %broadcast_in_dim3A_74 {strides = array<i32>} : memref<2048xf32, #tpu.memory_space<vmem>>, vector<16xf32>,
    %broadcast_in_dim3A_77 = arith.constant 0.000000e+00 : f32
    %broadcast_in_dim3A_78 = vector.broadcast %broadcast_in_dim3A_77 : f32 to vector<16xf32>
    %swap3A_79 = arith.constant 304 : index
    %swap3A_80 = tpu.vector_load %arg9[%swap3A_79] {strides = array<i32>} : memref<2048xf32, #tpu.memory_space<vmem>>, vector<16xf32>,
    tpu.vector_store %arg9[%swap3A_79], %broadcast_in_dim3A_78 {strides = array<i32>} : memref<2048xf32, #tpu.memory_space<vmem>>, vector<16xf32>,
    %broadcast_in_dim3A_81 = arith.constant 0.000000e+00 : f32
    %broadcast_in_dim3A_82 = vector.broadcast %broadcast_in_dim3A_81 : f32 to vector<16xf32>
    %swap3A_83 = arith.constant 320 : index
    %swap3A_84 = tpu.vector_load %arg9[%swap3A_83] {strides = array<i32>} : memref<2048xf32, #tpu.memory_space<vmem>>, vector<16xf32>,
    tpu.vector_store %arg9[%swap3A_83], %broadcast_in_dim3A_82 {strides = array<i32>} : memref<2048xf32, #tpu.memory_space<vmem>>, vector<16xf32>,
    %broadcast_in_dim3A_85 = arith.constant 0.000000e+00 : f32
    %broadcast_in_dim3A_86 = vector.broadcast %broadcast_in_dim3A_85 : f32 to vector<16xf32>
    %swap3A_87 = arith.constant 336 : index
    %swap3A_88 = tpu.vector_load %arg9[%swap3A_87] {strides = array<i32>} : memref<2048xf32, #tpu.memory_space<vmem>>, vector<16xf32>,
    tpu.vector_store %arg9[%swap3A_87], %broadcast_in_dim3A_86 {strides = array<i32>} : memref<2048xf32, #tpu.memory_space<vmem>>, vector<16xf32>,
    %broadcast_in_dim3A_89 = arith.constant 0.000000e+00 : f32
    %broadcast_in_dim3A_90 = vector.broadcast %broadcast_in_dim3A_89 : f32 to vector<16xf32>
    %swap3A_91 = arith.constant 352 : index
    %swap3A_92 = tpu.vector_load %arg9[%swap3A_91] {strides = array<i32>} : memref<2048xf32, #tpu.memory_space<vmem>>, vector<16xf32>,
    tpu.vector_store %arg9[%swap3A_91], %broadcast_in_dim3A_90 {strides = array<i32>} : memref<2048xf32, #tpu.memory_space<vmem>>, vector<16xf32>,
    %broadcast_in_dim3A_93 = arith.constant 0.000000e+00 : f32
    %broadcast_in_dim3A_94 = vector.broadcast %broadcast_in_dim3A_93 : f32 to vector<16xf32>
    %swap3A_95 = arith.constant 368 : index
    %swap3A_96 = tpu.vector_load %arg9[%swap3A_95] {strides = array<i32>} : memref<2048xf32, #tpu.memory_space<vmem>>, vector<16xf32>,
    tpu.vector_store %arg9[%swap3A_95], %broadcast_in_dim3A_94 {strides = array<i32>} : memref<2048xf32, #tpu.memory_space<vmem>>, vector<16xf32>,
    %broadcast_in_dim3A_97 = arith.constant 0.000000e+00 : f32
    %broadcast_in_dim3A_98 = vector.broadcast %broadcast_in_dim3A_97 : f32 to vector<16xf32>
    %swap3A_99 = arith.constant 384 : index
    %swap3A_100 = tpu.vector_load %arg9[%swap3A_99] {strides = array<i32>} : memref<2048xf32, #tpu.memory_space<vmem>>, vector<16xf32>,
    tpu.vector_store %arg9[%swap3A_99], %broadcast_in_dim3A_98 {strides = array<i32>} : memref<2048xf32, #tpu.memory_space<vmem>>, vector<16xf32>,
    %broadcast_in_dim3A_101 = arith.constant 0.000000e+00 : f32
    %broadcast_in_dim3A_102 = vector.broadcast %broadcast_in_dim3A_101 : f32 to vector<16xf32>
    %swap3A_103 = arith.constant 400 : index
    %swap3A_104 = tpu.vector_load %arg9[%swap3A_103] {strides = array<i32>} : memref<2048xf32, #tpu.memory_space<vmem>>, vector<16xf32>,
    tpu.vector_store %arg9[%swap3A_103], %broadcast_in_dim3A_102 {strides = array<i32>} : memref<2048xf32, #tpu.memory_space<vmem>>, vector<16xf32>,
    %broadcast_in_dim3A_105 = arith.constant 0.000000e+00 : f32
    %broadcast_in_dim3A_106 = vector.broadcast %broadcast_in_dim3A_105 : f32 to vector<16xf32>
    %swap3A_107 = arith.constant 416 : index
    %swap3A_108 = tpu.vector_load %arg9[%swap3A_107] {strides = array<i32>} : memref<2048xf32, #tpu.memory_space<vmem>>, vector<16xf32>,
    tpu.vector_store %arg9[%swap3A_107], %broadcast_in_dim3A_106 {strides = array<i32>} : memref<2048xf32, #tpu.memory_space<vmem>>, vector<16xf32>,
    %broadcast_in_dim3A_109 = arith.constant 0.000000e+00 : f32
    %broadcast_in_dim3A_110 = vector.broadcast %broadcast_in_dim3A_109 : f32 to vector<16xf32>
    %swap3A_111 = arith.constant 432 : index
    %swap3A_112 = tpu.vector_load %arg9[%swap3A_111] {strides = array<i32>} : memref<2048xf32, #tpu.memory_space<vmem>>, vector<16xf32>,
    tpu.vector_store %arg9[%swap3A_111], %broadcast_in_dim3A_110 {strides = array<i32>} : memref<2048xf32, #tpu.memory_space<vmem>>, vector<16xf32>,
    %broadcast_in_dim3A_113 = arith.constant 0.000000e+00 : f32
    %broadcast_in_dim3A_114 = vector.broadcast %broadcast_in_dim3A_113 : f32 to vector<16xf32>
    %swap3A_115 = arith.constant 448 : index
    %swap3A_116 = tpu.vector_load %arg9[%swap3A_115] {strides = array<i32>} : memref<2048xf32, #tpu.memory_space<vmem>>, vector<16xf32>,
    tpu.vector_store %arg9[%swap3A_115], %broadcast_in_dim3A_114 {strides = array<i32>} : memref<2048xf32, #tpu.memory_space<vmem>>, vector<16xf32>,
    %broadcast_in_dim3A_117 = arith.constant 0.000000e+00 : f32
    %broadcast_in_dim3A_118 = vector.broadcast %broadcast_in_dim3A_117 : f32 to vector<16xf32>
    %swap3A_119 = arith.constant 464 : index
    %swap3A_120 = tpu.vector_load %arg9[%swap3A_119] {strides = array<i32>} : memref<2048xf32, #tpu.memory_space<vmem>>, vector<16xf32>,
    tpu.vector_store %arg9[%swap3A_119], %broadcast_in_dim3A_118 {strides = array<i32>} : memref<2048xf32, #tpu.memory_space<vmem>>, vector<16xf32>,
    %broadcast_in_dim3A_121 = arith.constant 0.000000e+00 : f32
    %broadcast_in_dim3A_122 = vector.broadcast %broadcast_in_dim3A_121 : f32 to vector<16xf32>
    %swap3A_123 = arith.constant 480 : index
    %swap3A_124 = tpu.vector_load %arg9[%swap3A_123] {strides = array<i32>} : memref<2048xf32, #tpu.memory_space<vmem>>, vector<16xf32>,
    tpu.vector_store %arg9[%swap3A_123], %broadcast_in_dim3A_122 {strides = array<i32>} : memref<2048xf32, #tpu.memory_space<vmem>>, vector<16xf32>,
    %broadcast_in_dim3A_125 = arith.constant 0.000000e+00 : f32
    %broadcast_in_dim3A_126 = vector.broadcast %broadcast_in_dim3A_125 : f32 to vector<16xf32>
    %swap3A_127 = arith.constant 496 : index
    %swap3A_128 = tpu.vector_load %arg9[%swap3A_127] {strides = array<i32>} : memref<2048xf32, #tpu.memory_space<vmem>>, vector<16xf32>,
    tpu.vector_store %arg9[%swap3A_127], %broadcast_in_dim3A_126 {strides = array<i32>} : memref<2048xf32, #tpu.memory_space<vmem>>, vector<16xf32>,
    %broadcast_in_dim3A_129 = arith.constant 0.000000e+00 : f32
    %broadcast_in_dim3A_130 = vector.broadcast %broadcast_in_dim3A_129 : f32 to vector<16xf32>
    %swap3A_131 = arith.constant 512 : index
    %swap3A_132 = tpu.vector_load %arg9[%swap3A_131] {strides = array<i32>} : memref<2048xf32, #tpu.memory_space<vmem>>, vector<16xf32>,
    tpu.vector_store %arg9[%swap3A_131], %broadcast_in_dim3A_130 {strides = array<i32>} : memref<2048xf32, #tpu.memory_space<vmem>>, vector<16xf32>,
    %broadcast_in_dim3A_133 = arith.constant 0.000000e+00 : f32
    %broadcast_in_dim3A_134 = vector.broadcast %broadcast_in_dim3A_133 : f32 to vector<16xf32>
    %swap3A_135 = arith.constant 528 : index
    %swap3A_136 = tpu.vector_load %arg9[%swap3A_135] {strides = array<i32>} : memref<2048xf32, #tpu.memory_space<vmem>>, vector<16xf32>,
    tpu.vector_store %arg9[%swap3A_135], %broadcast_in_dim3A_134 {strides = array<i32>} : memref<2048xf32, #tpu.memory_space<vmem>>, vector<16xf32>,
    %broadcast_in_dim3A_137 = arith.constant 0.000000e+00 : f32
    %broadcast_in_dim3A_138 = vector.broadcast %broadcast_in_dim3A_137 : f32 to vector<16xf32>
    %swap3A_139 = arith.constant 544 : index
    %swap3A_140 = tpu.vector_load %arg9[%swap3A_139] {strides = array<i32>} : memref<2048xf32, #tpu.memory_space<vmem>>, vector<16xf32>,
    tpu.vector_store %arg9[%swap3A_139], %broadcast_in_dim3A_138 {strides = array<i32>} : memref<2048xf32, #tpu.memory_space<vmem>>, vector<16xf32>,
    %broadcast_in_dim3A_141 = arith.constant 0.000000e+00 : f32
    %broadcast_in_dim3A_142 = vector.broadcast %broadcast_in_dim3A_141 : f32 to vector<16xf32>
    %swap3A_143 = arith.constant 560 : index
    %swap3A_144 = tpu.vector_load %arg9[%swap3A_143] {strides = array<i32>} : memref<2048xf32, #tpu.memory_space<vmem>>, vector<16xf32>,
    tpu.vector_store %arg9[%swap3A_143], %broadcast_in_dim3A_142 {strides = array<i32>} : memref<2048xf32, #tpu.memory_space<vmem>>, vector<16xf32>,
    %broadcast_in_dim3A_145 = arith.constant 0.000000e+00 : f32
    %broadcast_in_dim3A_146 = vector.broadcast %broadcast_in_dim3A_145 : f32 to vector<16xf32>
    %swap3A_147 = arith.constant 576 : index
    %swap3A_148 = tpu.vector_load %arg9[%swap3A_147] {strides = array<i32>} : memref<2048xf32, #tpu.memory_space<vmem>>, vector<16xf32>,
    tpu.vector_store %arg9[%swap3A_147], %broadcast_in_dim3A_146 {strides = array<i32>} : memref<2048xf32, #tpu.memory_space<vmem>>, vector<16xf32>,
    %broadcast_in_dim3A_149 = arith.constant 0.000000e+00 : f32
    %broadcast_in_dim3A_150 = vector.broadcast %broadcast_in_dim3A_149 : f32 to vector<16xf32>
    %swap3A_151 = arith.constant 592 : index
    %swap3A_152 = tpu.vector_load %arg9[%swap3A_151] {strides = array<i32>} : memref<2048xf32, #tpu.memory_space<vmem>>, vector<16xf32>,
    tpu.vector_store %arg9[%swap3A_151], %broadcast_in_dim3A_150 {strides = array<i32>} : memref<2048xf32, #tpu.memory_space<vmem>>, vector<16xf32>,
    %broadcast_in_dim3A_153 = arith.constant 0.000000e+00 : f32
    %broadcast_in_dim3A_154 = vector.broadcast %broadcast_in_dim3A_153 : f32 to vector<16xf32>
    %swap3A_155 = arith.constant 608 : index
    %swap3A_156 = tpu.vector_load %arg9[%swap3A_155] {strides = array<i32>} : memref<2048xf32, #tpu.memory_space<vmem>>, vector<16xf32>,
    tpu.vector_store %arg9[%swap3A_155], %broadcast_in_dim3A_154 {strides = array<i32>} : memref<2048xf32, #tpu.memory_space<vmem>>, vector<16xf32>,
    %broadcast_in_dim3A_157 = arith.constant 0.000000e+00 : f32
    %broadcast_in_dim3A_158 = vector.broadcast %broadcast_in_dim3A_157 : f32 to vector<16xf32>
    %swap3A_159 = arith.constant 624 : index
    %swap3A_160 = tpu.vector_load %arg9[%swap3A_159] {strides = array<i32>} : memref<2048xf32, #tpu.memory_space<vmem>>, vector<16xf32>,
    tpu.vector_store %arg9[%swap3A_159], %broadcast_in_dim3A_158 {strides = array<i32>} : memref<2048xf32, #tpu.memory_space<vmem>>, vector<16xf32>,
    %broadcast_in_dim3A_161 = arith.constant 0.000000e+00 : f32
    %broadcast_in_dim3A_162 = vector.broadcast %broadcast_in_dim3A_161 : f32 to vector<16xf32>
    %swap3A_163 = arith.constant 640 : index
    %swap3A_164 = tpu.vector_load %arg9[%swap3A_163] {strides = array<i32>} : memref<2048xf32, #tpu.memory_space<vmem>>, vector<16xf32>,
    tpu.vector_store %arg9[%swap3A_163], %broadcast_in_dim3A_162 {strides = array<i32>} : memref<2048xf32, #tpu.memory_space<vmem>>, vector<16xf32>,
    %broadcast_in_dim3A_165 = arith.constant 0.000000e+00 : f32
    %broadcast_in_dim3A_166 = vector.broadcast %broadcast_in_dim3A_165 : f32 to vector<16xf32>
    %swap3A_167 = arith.constant 656 : index
    %swap3A_168 = tpu.vector_load %arg9[%swap3A_167] {strides = array<i32>} : memref<2048xf32, #tpu.memory_space<vmem>>, vector<16xf32>,
    tpu.vector_store %arg9[%swap3A_167], %broadcast_in_dim3A_166 {strides = array<i32>} : memref<2048xf32, #tpu.memory_space<vmem>>, vector<16xf32>,
    %broadcast_in_dim3A_169 = arith.constant 0.000000e+00 : f32
    %broadcast_in_dim3A_170 = vector.broadcast %broadcast_in_dim3A_169 : f32 to vector<16xf32>
    %swap3A_171 = arith.constant 672 : index
    %swap3A_172 = tpu.vector_load %arg9[%swap3A_171] {strides = array<i32>} : memref<2048xf32, #tpu.memory_space<vmem>>, vector<16xf32>,
    tpu.vector_store %arg9[%swap3A_171], %broadcast_in_dim3A_170 {strides = array<i32>} : memref<2048xf32, #tpu.memory_space<vmem>>, vector<16xf32>,
    %broadcast_in_dim3A_173 = arith.constant 0.000000e+00 : f32
    %broadcast_in_dim3A_174 = vector.broadcast %broadcast_in_dim3A_173 : f32 to vector<16xf32>
    %swap3A_175 = arith.constant 688 : index
    %swap3A_176 = tpu.vector_load %arg9[%swap3A_175] {strides = array<i32>} : memref<2048xf32, #tpu.memory_space<vmem>>, vector<16xf32>,
    tpu.vector_store %arg9[%swap3A_175], %broadcast_in_dim3A_174 {strides = array<i32>} : memref<2048xf32, #tpu.memory_space<vmem>>, vector<16xf32>,
    %broadcast_in_dim3A_177 = arith.constant 0.000000e+00 : f32
    %broadcast_in_dim3A_178 = vector.broadcast %broadcast_in_dim3A_177 : f32 to vector<16xf32>
    %swap3A_179 = arith.constant 704 : index
    %swap3A_180 = tpu.vector_load %arg9[%swap3A_179] {strides = array<i32>} : memref<2048xf32, #tpu.memory_space<vmem>>, vector<16xf32>,
    tpu.vector_store %arg9[%swap3A_179], %broadcast_in_dim3A_178 {strides = array<i32>} : memref<2048xf32, #tpu.memory_space<vmem>>, vector<16xf32>,
    %broadcast_in_dim3A_181 = arith.constant 0.000000e+00 : f32
    %broadcast_in_dim3A_182 = vector.broadcast %broadcast_in_dim3A_181 : f32 to vector<16xf32>
    %swap3A_183 = arith.constant 720 : index
    %swap3A_184 = tpu.vector_load %arg9[%swap3A_183] {strides = array<i32>} : memref<2048xf32, #tpu.memory_space<vmem>>, vector<16xf32>,
    tpu.vector_store %arg9[%swap3A_183], %broadcast_in_dim3A_182 {strides = array<i32>} : memref<2048xf32, #tpu.memory_space<vmem>>, vector<16xf32>,
    %broadcast_in_dim3A_185 = arith.constant 0.000000e+00 : f32
    %broadcast_in_dim3A_186 = vector.broadcast %broadcast_in_dim3A_185 : f32 to vector<16xf32>
    %swap3A_187 = arith.constant 736 : index
    %swap3A_188 = tpu.vector_load %arg9[%swap3A_187] {strides = array<i32>} : memref<2048xf32, #tpu.memory_space<vmem>>, vector<16xf32>,
    tpu.vector_store %arg9[%swap3A_187], %broadcast_in_dim3A_186 {strides = array<i32>} : memref<2048xf32, #tpu.memory_space<vmem>>, vector<16xf32>,
    %broadcast_in_dim3A_189 = arith.constant 0.000000e+00 : f32
    %broadcast_in_dim3A_190 = vector.broadcast %broadcast_in_dim3A_189 : f32 to vector<16xf32>
    %swap3A_191 = arith.constant 752 : index
    %swap3A_192 = tpu.vector_load %arg9[%swap3A_191] {strides = array<i32>} : memref<2048xf32, #tpu.memory_space<vmem>>, vector<16xf32>,
    tpu.vector_store %arg9[%swap3A_191], %broadcast_in_dim3A_190 {strides = array<i32>} : memref<2048xf32, #tpu.memory_space<vmem>>, vector<16xf32>,
    %broadcast_in_dim3A_193 = arith.constant 0.000000e+00 : f32
    %broadcast_in_dim3A_194 = vector.broadcast %broadcast_in_dim3A_193 : f32 to vector<16xf32>
    %swap3A_195 = arith.constant 768 : index
    %swap3A_196 = tpu.vector_load %arg9[%swap3A_195] {strides = array<i32>} : memref<2048xf32, #tpu.memory_space<vmem>>, vector<16xf32>,
    tpu.vector_store %arg9[%swap3A_195], %broadcast_in_dim3A_194 {strides = array<i32>} : memref<2048xf32, #tpu.memory_space<vmem>>, vector<16xf32>,
    %broadcast_in_dim3A_197 = arith.constant 0.000000e+00 : f32
    %broadcast_in_dim3A_198 = vector.broadcast %broadcast_in_dim3A_197 : f32 to vector<16xf32>
    %swap3A_199 = arith.constant 784 : index
    %swap3A_200 = tpu.vector_load %arg9[%swap3A_199] {strides = array<i32>} : memref<2048xf32, #tpu.memory_space<vmem>>, vector<16xf32>,
    tpu.vector_store %arg9[%swap3A_199], %broadcast_in_dim3A_198 {strides = array<i32>} : memref<2048xf32, #tpu.memory_space<vmem>>, vector<16xf32>,
    %broadcast_in_dim3A_201 = arith.constant 0.000000e+00 : f32
    %broadcast_in_dim3A_202 = vector.broadcast %broadcast_in_dim3A_201 : f32 to vector<16xf32>
    %swap3A_203 = arith.constant 800 : index
    %swap3A_204 = tpu.vector_load %arg9[%swap3A_203] {strides = array<i32>} : memref<2048xf32, #tpu.memory_space<vmem>>, vector<16xf32>,
    tpu.vector_store %arg9[%swap3A_203], %broadcast_in_dim3A_202 {strides = array<i32>} : memref<2048xf32, #tpu.memory_space<vmem>>, vector<16xf32>,
    %broadcast_in_dim3A_205 = arith.constant 0.000000e+00 : f32
    %broadcast_in_dim3A_206 = vector.broadcast %broadcast_in_dim3A_205 : f32 to vector<16xf32>
    %swap3A_207 = arith.constant 816 : index
    %swap3A_208 = tpu.vector_load %arg9[%swap3A_207] {strides = array<i32>} : memref<2048xf32, #tpu.memory_space<vmem>>, vector<16xf32>,
    tpu.vector_store %arg9[%swap3A_207], %broadcast_in_dim3A_206 {strides = array<i32>} : memref<2048xf32, #tpu.memory_space<vmem>>, vector<16xf32>,
    %broadcast_in_dim3A_209 = arith.constant 0.000000e+00 : f32
    %broadcast_in_dim3A_210 = vector.broadcast %broadcast_in_dim3A_209 : f32 to vector<16xf32>
    %swap3A_211 = arith.constant 832 : index
    %swap3A_212 = tpu.vector_load %arg9[%swap3A_211] {strides = array<i32>} : memref<2048xf32, #tpu.memory_space<vmem>>, vector<16xf32>,
    tpu.vector_store %arg9[%swap3A_211], %broadcast_in_dim3A_210 {strides = array<i32>} : memref<2048xf32, #tpu.memory_space<vmem>>, vector<16xf32>,
    %broadcast_in_dim3A_213 = arith.constant 0.000000e+00 : f32
    %broadcast_in_dim3A_214 = vector.broadcast %broadcast_in_dim3A_213 : f32 to vector<16xf32>
    %swap3A_215 = arith.constant 848 : index
    %swap3A_216 = tpu.vector_load %arg9[%swap3A_215] {strides = array<i32>} : memref<2048xf32, #tpu.memory_space<vmem>>, vector<16xf32>,
    tpu.vector_store %arg9[%swap3A_215], %broadcast_in_dim3A_214 {strides = array<i32>} : memref<2048xf32, #tpu.memory_space<vmem>>, vector<16xf32>,
    %broadcast_in_dim3A_217 = arith.constant 0.000000e+00 : f32
    %broadcast_in_dim3A_218 = vector.broadcast %broadcast_in_dim3A_217 : f32 to vector<16xf32>
    %swap3A_219 = arith.constant 864 : index
    %swap3A_220 = tpu.vector_load %arg9[%swap3A_219] {strides = array<i32>} : memref<2048xf32, #tpu.memory_space<vmem>>, vector<16xf32>,
    tpu.vector_store %arg9[%swap3A_219], %broadcast_in_dim3A_218 {strides = array<i32>} : memref<2048xf32, #tpu.memory_space<vmem>>, vector<16xf32>,
    %broadcast_in_dim3A_221 = arith.constant 0.000000e+00 : f32
    %broadcast_in_dim3A_222 = vector.broadcast %broadcast_in_dim3A_221 : f32 to vector<16xf32>
    %swap3A_223 = arith.constant 880 : index
    %swap3A_224 = tpu.vector_load %arg9[%swap3A_223] {strides = array<i32>} : memref<2048xf32, #tpu.memory_space<vmem>>, vector<16xf32>,
    tpu.vector_store %arg9[%swap3A_223], %broadcast_in_dim3A_222 {strides = array<i32>} : memref<2048xf32, #tpu.memory_space<vmem>>, vector<16xf32>,
    %broadcast_in_dim3A_225 = arith.constant 0.000000e+00 : f32
    %broadcast_in_dim3A_226 = vector.broadcast %broadcast_in_dim3A_225 : f32 to vector<16xf32>
    %swap3A_227 = arith.constant 896 : index
    %swap3A_228 = tpu.vector_load %arg9[%swap3A_227] {strides = array<i32>} : memref<2048xf32, #tpu.memory_space<vmem>>, vector<16xf32>,
    tpu.vector_store %arg9[%swap3A_227], %broadcast_in_dim3A_226 {strides = array<i32>} : memref<2048xf32, #tpu.memory_space<vmem>>, vector<16xf32>,
    %broadcast_in_dim3A_229 = arith.constant 0.000000e+00 : f32
    %broadcast_in_dim3A_230 = vector.broadcast %broadcast_in_dim3A_229 : f32 to vector<16xf32>
    %swap3A_231 = arith.constant 912 : index
    %swap3A_232 = tpu.vector_load %arg9[%swap3A_231] {strides = array<i32>} : memref<2048xf32, #tpu.memory_space<vmem>>, vector<16xf32>,
    tpu.vector_store %arg9[%swap3A_231], %broadcast_in_dim3A_230 {strides = array<i32>} : memref<2048xf32, #tpu.memory_space<vmem>>, vector<16xf32>,
    %broadcast_in_dim3A_233 = arith.constant 0.000000e+00 : f32
    %broadcast_in_dim3A_234 = vector.broadcast %broadcast_in_dim3A_233 : f32 to vector<16xf32>
    %swap3A_235 = arith.constant 928 : index
    %swap3A_236 = tpu.vector_load %arg9[%swap3A_235] {strides = array<i32>} : memref<2048xf32, #tpu.memory_space<vmem>>, vector<16xf32>,
    tpu.vector_store %arg9[%swap3A_235], %broadcast_in_dim3A_234 {strides = array<i32>} : memref<2048xf32, #tpu.memory_space<vmem>>, vector<16xf32>,
    %broadcast_in_dim3A_237 = arith.constant 0.000000e+00 : f32
    %broadcast_in_dim3A_238 = vector.broadcast %broadcast_in_dim3A_237 : f32 to vector<16xf32>
    %swap3A_239 = arith.constant 944 : index
    %swap3A_240 = tpu.vector_load %arg9[%swap3A_239] {strides = array<i32>} : memref<2048xf32, #tpu.memory_space<vmem>>, vector<16xf32>,
    tpu.vector_store %arg9[%swap3A_239], %broadcast_in_dim3A_238 {strides = array<i32>} : memref<2048xf32, #tpu.memory_space<vmem>>, vector<16xf32>,
    %broadcast_in_dim3A_241 = arith.constant 0.000000e+00 : f32
    %broadcast_in_dim3A_242 = vector.broadcast %broadcast_in_dim3A_241 : f32 to vector<16xf32>
    %swap3A_243 = arith.constant 960 : index
    %swap3A_244 = tpu.vector_load %arg9[%swap3A_243] {strides = array<i32>} : memref<2048xf32, #tpu.memory_space<vmem>>, vector<16xf32>,
    tpu.vector_store %arg9[%swap3A_243], %broadcast_in_dim3A_242 {strides = array<i32>} : memref<2048xf32, #tpu.memory_space<vmem>>, vector<16xf32>,
    %broadcast_in_dim3A_245 = arith.constant 0.000000e+00 : f32
    %broadcast_in_dim3A_246 = vector.broadcast %broadcast_in_dim3A_245 : f32 to vector<16xf32>
    %swap3A_247 = arith.constant 976 : index
    %swap3A_248 = tpu.vector_load %arg9[%swap3A_247] {strides = array<i32>} : memref<2048xf32, #tpu.memory_space<vmem>>, vector<16xf32>,
    tpu.vector_store %arg9[%swap3A_247], %broadcast_in_dim3A_246 {strides = array<i32>} : memref<2048xf32, #tpu.memory_space<vmem>>, vector<16xf32>,
    %broadcast_in_dim3A_249 = arith.constant 0.000000e+00 : f32
    %broadcast_in_dim3A_250 = vector.broadcast %broadcast_in_dim3A_249 : f32 to vector<16xf32>
    %swap3A_251 = arith.constant 992 : index
    %swap3A_252 = tpu.vector_load %arg9[%swap3A_251] {strides = array<i32>} : memref<2048xf32, #tpu.memory_space<vmem>>, vector<16xf32>,
    tpu.vector_store %arg9[%swap3A_251], %broadcast_in_dim3A_250 {strides = array<i32>} : memref<2048xf32, #tpu.memory_space<vmem>>, vector<16xf32>,
    %broadcast_in_dim3A_253 = arith.constant 0.000000e+00 : f32
    %broadcast_in_dim3A_254 = vector.broadcast %broadcast_in_dim3A_253 : f32 to vector<16xf32>
    %swap3A_255 = arith.constant 1008 : index
    %swap3A_256 = tpu.vector_load %arg9[%swap3A_255] {strides = array<i32>} : memref<2048xf32, #tpu.memory_space<vmem>>, vector<16xf32>,
    tpu.vector_store %arg9[%swap3A_255], %broadcast_in_dim3A_254 {strides = array<i32>} : memref<2048xf32, #tpu.memory_space<vmem>>, vector<16xf32>,
    %broadcast_in_dim3A_257 = arith.constant 0.000000e+00 : f32
    %broadcast_in_dim3A_258 = vector.broadcast %broadcast_in_dim3A_257 : f32 to vector<16xf32>
    %swap3A_259 = arith.constant 1024 : index
    %swap3A_260 = tpu.vector_load %arg9[%swap3A_259] {strides = array<i32>} : memref<2048xf32, #tpu.memory_space<vmem>>, vector<16xf32>,
    tpu.vector_store %arg9[%swap3A_259], %broadcast_in_dim3A_258 {strides = array<i32>} : memref<2048xf32, #tpu.memory_space<vmem>>, vector<16xf32>,
    %broadcast_in_dim3A_261 = arith.constant 0.000000e+00 : f32
    %broadcast_in_dim3A_262 = vector.broadcast %broadcast_in_dim3A_261 : f32 to vector<16xf32>
    %swap3A_263 = arith.constant 1040 : index
    %swap3A_264 = tpu.vector_load %arg9[%swap3A_263] {strides = array<i32>} : memref<2048xf32, #tpu.memory_space<vmem>>, vector<16xf32>,
    tpu.vector_store %arg9[%swap3A_263], %broadcast_in_dim3A_262 {strides = array<i32>} : memref<2048xf32, #tpu.memory_space<vmem>>, vector<16xf32>,
    %broadcast_in_dim3A_265 = arith.constant 0.000000e+00 : f32
    %broadcast_in_dim3A_266 = vector.broadcast %broadcast_in_dim3A_265 : f32 to vector<16xf32>
    %swap3A_267 = arith.constant 1056 : index
    %swap3A_268 = tpu.vector_load %arg9[%swap3A_267] {strides = array<i32>} : memref<2048xf32, #tpu.memory_space<vmem>>, vector<16xf32>,
    tpu.vector_store %arg9[%swap3A_267], %broadcast_in_dim3A_266 {strides = array<i32>} : memref<2048xf32, #tpu.memory_space<vmem>>, vector<16xf32>,
    %broadcast_in_dim3A_269 = arith.constant 0.000000e+00 : f32
    %broadcast_in_dim3A_270 = vector.broadcast %broadcast_in_dim3A_269 : f32 to vector<16xf32>
    %swap3A_271 = arith.constant 1072 : index
    %swap3A_272 = tpu.vector_load %arg9[%swap3A_271] {strides = array<i32>} : memref<2048xf32, #tpu.memory_space<vmem>>, vector<16xf32>,
    tpu.vector_store %arg9[%swap3A_271], %broadcast_in_dim3A_270 {strides = array<i32>} : memref<2048xf32, #tpu.memory_space<vmem>>, vector<16xf32>,
    %broadcast_in_dim3A_273 = arith.constant 0.000000e+00 : f32
    %broadcast_in_dim3A_274 = vector.broadcast %broadcast_in_dim3A_273 : f32 to vector<16xf32>
    %swap3A_275 = arith.constant 1088 : index
    %swap3A_276 = tpu.vector_load %arg9[%swap3A_275] {strides = array<i32>} : memref<2048xf32, #tpu.memory_space<vmem>>, vector<16xf32>,
    tpu.vector_store %arg9[%swap3A_275], %broadcast_in_dim3A_274 {strides = array<i32>} : memref<2048xf32, #tpu.memory_space<vmem>>, vector<16xf32>,
    %broadcast_in_dim3A_277 = arith.constant 0.000000e+00 : f32
    %broadcast_in_dim3A_278 = vector.broadcast %broadcast_in_dim3A_277 : f32 to vector<16xf32>
    %swap3A_279 = arith.constant 1104 : index
    %swap3A_280 = tpu.vector_load %arg9[%swap3A_279] {strides = array<i32>} : memref<2048xf32, #tpu.memory_space<vmem>>, vector<16xf32>,
    tpu.vector_store %arg9[%swap3A_279], %broadcast_in_dim3A_278 {strides = array<i32>} : memref<2048xf32, #tpu.memory_space<vmem>>, vector<16xf32>,
    %broadcast_in_dim3A_281 = arith.constant 0.000000e+00 : f32
    %broadcast_in_dim3A_282 = vector.broadcast %broadcast_in_dim3A_281 : f32 to vector<16xf32>
    %swap3A_283 = arith.constant 1120 : index
    %swap3A_284 = tpu.vector_load %arg9[%swap3A_283] {strides = array<i32>} : memref<2048xf32, #tpu.memory_space<vmem>>, vector<16xf32>,
    tpu.vector_store %arg9[%swap3A_283], %broadcast_in_dim3A_282 {strides = array<i32>} : memref<2048xf32, #tpu.memory_space<vmem>>, vector<16xf32>,
    %broadcast_in_dim3A_285 = arith.constant 0.000000e+00 : f32
    %broadcast_in_dim3A_286 = vector.broadcast %broadcast_in_dim3A_285 : f32 to vector<16xf32>
    %swap3A_287 = arith.constant 1136 : index
    %swap3A_288 = tpu.vector_load %arg9[%swap3A_287] {strides = array<i32>} : memref<2048xf32, #tpu.memory_space<vmem>>, vector<16xf32>,
    tpu.vector_store %arg9[%swap3A_287], %broadcast_in_dim3A_286 {strides = array<i32>} : memref<2048xf32, #tpu.memory_space<vmem>>, vector<16xf32>,
    %broadcast_in_dim3A_289 = arith.constant 0.000000e+00 : f32
    %broadcast_in_dim3A_290 = vector.broadcast %broadcast_in_dim3A_289 : f32 to vector<16xf32>
    %swap3A_291 = arith.constant 1152 : index
    %swap3A_292 = tpu.vector_load %arg9[%swap3A_291] {strides = array<i32>} : memref<2048xf32, #tpu.memory_space<vmem>>, vector<16xf32>,
    tpu.vector_store %arg9[%swap3A_291], %broadcast_in_dim3A_290 {strides = array<i32>} : memref<2048xf32, #tpu.memory_space<vmem>>, vector<16xf32>,
    %broadcast_in_dim3A_293 = arith.constant 0.000000e+00 : f32
    %broadcast_in_dim3A_294 = vector.broadcast %broadcast_in_dim3A_293 : f32 to vector<16xf32>
    %swap3A_295 = arith.constant 1168 : index
    %swap3A_296 = tpu.vector_load %arg9[%swap3A_295] {strides = array<i32>} : memref<2048xf32, #tpu.memory_space<vmem>>, vector<16xf32>,
    tpu.vector_store %arg9[%swap3A_295], %broadcast_in_dim3A_294 {strides = array<i32>} : memref<2048xf32, #tpu.memory_space<vmem>>, vector<16xf32>,
    %broadcast_in_dim3A_297 = arith.constant 0.000000e+00 : f32
    %broadcast_in_dim3A_298 = vector.broadcast %broadcast_in_dim3A_297 : f32 to vector<16xf32>
    %swap3A_299 = arith.constant 1184 : index
    %swap3A_300 = tpu.vector_load %arg9[%swap3A_299] {strides = array<i32>} : memref<2048xf32, #tpu.memory_space<vmem>>, vector<16xf32>,
    tpu.vector_store %arg9[%swap3A_299], %broadcast_in_dim3A_298 {strides = array<i32>} : memref<2048xf32, #tpu.memory_space<vmem>>, vector<16xf32>,
    %broadcast_in_dim3A_301 = arith.constant 0.000000e+00 : f32
    %broadcast_in_dim3A_302 = vector.broadcast %broadcast_in_dim3A_301 : f32 to vector<16xf32>
    %swap3A_303 = arith.constant 1200 : index
    %swap3A_304 = tpu.vector_load %arg9[%swap3A_303] {strides = array<i32>} : memref<2048xf32, #tpu.memory_space<vmem>>, vector<16xf32>,
    tpu.vector_store %arg9[%swap3A_303], %broadcast_in_dim3A_302 {strides = array<i32>} : memref<2048xf32, #tpu.memory_space<vmem>>, vector<16xf32>,
    %broadcast_in_dim3A_305 = arith.constant 0.000000e+00 : f32
    %broadcast_in_dim3A_306 = vector.broadcast %broadcast_in_dim3A_305 : f32 to vector<16xf32>
    %swap3A_307 = arith.constant 1216 : index
    %swap3A_308 = tpu.vector_load %arg9[%swap3A_307] {strides = array<i32>} : memref<2048xf32, #tpu.memory_space<vmem>>, vector<16xf32>,
    tpu.vector_store %arg9[%swap3A_307], %broadcast_in_dim3A_306 {strides = array<i32>} : memref<2048xf32, #tpu.memory_space<vmem>>, vector<16xf32>,
    %broadcast_in_dim3A_309 = arith.constant 0.000000e+00 : f32
    %broadcast_in_dim3A_310 = vector.broadcast %broadcast_in_dim3A_309 : f32 to vector<16xf32>
    %swap3A_311 = arith.constant 1232 : index
    %swap3A_312 = tpu.vector_load %arg9[%swap3A_311] {strides = array<i32>} : memref<2048xf32, #tpu.memory_space<vmem>>, vector<16xf32>,
    tpu.vector_store %arg9[%swap3A_311], %broadcast_in_dim3A_310 {strides = array<i32>} : memref<2048xf32, #tpu.memory_space<vmem>>, vector<16xf32>,
    %broadcast_in_dim3A_313 = arith.constant 0.000000e+00 : f32
    %broadcast_in_dim3A_314 = vector.broadcast %broadcast_in_dim3A_313 : f32 to vector<16xf32>
    %swap3A_315 = arith.constant 1248 : index
    %swap3A_316 = tpu.vector_load %arg9[%swap3A_315] {strides = array<i32>} : memref<2048xf32, #tpu.memory_space<vmem>>, vector<16xf32>,
    tpu.vector_store %arg9[%swap3A_315], %broadcast_in_dim3A_314 {strides = array<i32>} : memref<2048xf32, #tpu.memory_space<vmem>>, vector<16xf32>,
    %broadcast_in_dim3A_317 = arith.constant 0.000000e+00 : f32
    %broadcast_in_dim3A_318 = vector.broadcast %broadcast_in_dim3A_317 : f32 to vector<16xf32>
    %swap3A_319 = arith.constant 1264 : index
    %swap3A_320 = tpu.vector_load %arg9[%swap3A_319] {strides = array<i32>} : memref<2048xf32, #tpu.memory_space<vmem>>, vector<16xf32>,
    tpu.vector_store %arg9[%swap3A_319], %broadcast_in_dim3A_318 {strides = array<i32>} : memref<2048xf32, #tpu.memory_space<vmem>>, vector<16xf32>,
    %broadcast_in_dim3A_321 = arith.constant 0.000000e+00 : f32
    %broadcast_in_dim3A_322 = vector.broadcast %broadcast_in_dim3A_321 : f32 to vector<16xf32>
    %swap3A_323 = arith.constant 1280 : index
    %swap3A_324 = tpu.vector_load %arg9[%swap3A_323] {strides = array<i32>} : memref<2048xf32, #tpu.memory_space<vmem>>, vector<16xf32>,
    tpu.vector_store %arg9[%swap3A_323], %broadcast_in_dim3A_322 {strides = array<i32>} : memref<2048xf32, #tpu.memory_space<vmem>>, vector<16xf32>,
    %broadcast_in_dim3A_325 = arith.constant 0.000000e+00 : f32
    %broadcast_in_dim3A_326 = vector.broadcast %broadcast_in_dim3A_325 : f32 to vector<16xf32>
    %swap3A_327 = arith.constant 1296 : index
    %swap3A_328 = tpu.vector_load %arg9[%swap3A_327] {strides = array<i32>} : memref<2048xf32, #tpu.memory_space<vmem>>, vector<16xf32>,
    tpu.vector_store %arg9[%swap3A_327], %broadcast_in_dim3A_326 {strides = array<i32>} : memref<2048xf32, #tpu.memory_space<vmem>>, vector<16xf32>,
    %broadcast_in_dim3A_329 = arith.constant 0.000000e+00 : f32
    %broadcast_in_dim3A_330 = vector.broadcast %broadcast_in_dim3A_329 : f32 to vector<16xf32>
    %swap3A_331 = arith.constant 1312 : index
    %swap3A_332 = tpu.vector_load %arg9[%swap3A_331] {strides = array<i32>} : memref<2048xf32, #tpu.memory_space<vmem>>, vector<16xf32>,
    tpu.vector_store %arg9[%swap3A_331], %broadcast_in_dim3A_330 {strides = array<i32>} : memref<2048xf32, #tpu.memory_space<vmem>>, vector<16xf32>,
    %broadcast_in_dim3A_333 = arith.constant 0.000000e+00 : f32
    %broadcast_in_dim3A_334 = vector.broadcast %broadcast_in_dim3A_333 : f32 to vector<16xf32>
    %swap3A_335 = arith.constant 1328 : index
    %swap3A_336 = tpu.vector_load %arg9[%swap3A_335] {strides = array<i32>} : memref<2048xf32, #tpu.memory_space<vmem>>, vector<16xf32>,
    tpu.vector_store %arg9[%swap3A_335], %broadcast_in_dim3A_334 {strides = array<i32>} : memref<2048xf32, #tpu.memory_space<vmem>>, vector<16xf32>,
    %broadcast_in_dim3A_337 = arith.constant 0.000000e+00 : f32
    %broadcast_in_dim3A_338 = vector.broadcast %broadcast_in_dim3A_337 : f32 to vector<16xf32>
    %swap3A_339 = arith.constant 1344 : index
    %swap3A_340 = tpu.vector_load %arg9[%swap3A_339] {strides = array<i32>} : memref<2048xf32, #tpu.memory_space<vmem>>, vector<16xf32>,
    tpu.vector_store %arg9[%swap3A_339], %broadcast_in_dim3A_338 {strides = array<i32>} : memref<2048xf32, #tpu.memory_space<vmem>>, vector<16xf32>,
    %broadcast_in_dim3A_341 = arith.constant 0.000000e+00 : f32
    %broadcast_in_dim3A_342 = vector.broadcast %broadcast_in_dim3A_341 : f32 to vector<16xf32>
    %swap3A_343 = arith.constant 1360 : index
    %swap3A_344 = tpu.vector_load %arg9[%swap3A_343] {strides = array<i32>} : memref<2048xf32, #tpu.memory_space<vmem>>, vector<16xf32>,
    tpu.vector_store %arg9[%swap3A_343], %broadcast_in_dim3A_342 {strides = array<i32>} : memref<2048xf32, #tpu.memory_space<vmem>>, vector<16xf32>,
    %broadcast_in_dim3A_345 = arith.constant 0.000000e+00 : f32
    %broadcast_in_dim3A_346 = vector.broadcast %broadcast_in_dim3A_345 : f32 to vector<16xf32>
    %swap3A_347 = arith.constant 1376 : index
    %swap3A_348 = tpu.vector_load %arg9[%swap3A_347] {strides = array<i32>} : memref<2048xf32, #tpu.memory_space<vmem>>, vector<16xf32>,
    tpu.vector_store %arg9[%swap3A_347], %broadcast_in_dim3A_346 {strides = array<i32>} : memref<2048xf32, #tpu.memory_space<vmem>>, vector<16xf32>,
    %broadcast_in_dim3A_349 = arith.constant 0.000000e+00 : f32
    %broadcast_in_dim3A_350 = vector.broadcast %broadcast_in_dim3A_349 : f32 to vector<16xf32>
    %swap3A_351 = arith.constant 1392 : index
    %swap3A_352 = tpu.vector_load %arg9[%swap3A_351] {strides = array<i32>} : memref<2048xf32, #tpu.memory_space<vmem>>, vector<16xf32>,
    tpu.vector_store %arg9[%swap3A_351], %broadcast_in_dim3A_350 {strides = array<i32>} : memref<2048xf32, #tpu.memory_space<vmem>>, vector<16xf32>,
    %broadcast_in_dim3A_353 = arith.constant 0.000000e+00 : f32
    %broadcast_in_dim3A_354 = vector.broadcast %broadcast_in_dim3A_353 : f32 to vector<16xf32>
    %swap3A_355 = arith.constant 1408 : index
    %swap3A_356 = tpu.vector_load %arg9[%swap3A_355] {strides = array<i32>} : memref<2048xf32, #tpu.memory_space<vmem>>, vector<16xf32>,
    tpu.vector_store %arg9[%swap3A_355], %broadcast_in_dim3A_354 {strides = array<i32>} : memref<2048xf32, #tpu.memory_space<vmem>>, vector<16xf32>,
    %broadcast_in_dim3A_357 = arith.constant 0.000000e+00 : f32
    %broadcast_in_dim3A_358 = vector.broadcast %broadcast_in_dim3A_357 : f32 to vector<16xf32>
    %swap3A_359 = arith.constant 1424 : index
    %swap3A_360 = tpu.vector_load %arg9[%swap3A_359] {strides = array<i32>} : memref<2048xf32, #tpu.memory_space<vmem>>, vector<16xf32>,
    tpu.vector_store %arg9[%swap3A_359], %broadcast_in_dim3A_358 {strides = array<i32>} : memref<2048xf32, #tpu.memory_space<vmem>>, vector<16xf32>,
    %broadcast_in_dim3A_361 = arith.constant 0.000000e+00 : f32
    %broadcast_in_dim3A_362 = vector.broadcast %broadcast_in_dim3A_361 : f32 to vector<16xf32>
    %swap3A_363 = arith.constant 1440 : index
    %swap3A_364 = tpu.vector_load %arg9[%swap3A_363] {strides = array<i32>} : memref<2048xf32, #tpu.memory_space<vmem>>, vector<16xf32>,
    tpu.vector_store %arg9[%swap3A_363], %broadcast_in_dim3A_362 {strides = array<i32>} : memref<2048xf32, #tpu.memory_space<vmem>>, vector<16xf32>,
    %broadcast_in_dim3A_365 = arith.constant 0.000000e+00 : f32
    %broadcast_in_dim3A_366 = vector.broadcast %broadcast_in_dim3A_365 : f32 to vector<16xf32>
    %swap3A_367 = arith.constant 1456 : index
    %swap3A_368 = tpu.vector_load %arg9[%swap3A_367] {strides = array<i32>} : memref<2048xf32, #tpu.memory_space<vmem>>, vector<16xf32>,
    tpu.vector_store %arg9[%swap3A_367], %broadcast_in_dim3A_366 {strides = array<i32>} : memref<2048xf32, #tpu.memory_space<vmem>>, vector<16xf32>,
    %broadcast_in_dim3A_369 = arith.constant 0.000000e+00 : f32
    %broadcast_in_dim3A_370 = vector.broadcast %broadcast_in_dim3A_369 : f32 to vector<16xf32>
    %swap3A_371 = arith.constant 1472 : index
    %swap3A_372 = tpu.vector_load %arg9[%swap3A_371] {strides = array<i32>} : memref<2048xf32, #tpu.memory_space<vmem>>, vector<16xf32>,
    tpu.vector_store %arg9[%swap3A_371], %broadcast_in_dim3A_370 {strides = array<i32>} : memref<2048xf32, #tpu.memory_space<vmem>>, vector<16xf32>,
    %broadcast_in_dim3A_373 = arith.constant 0.000000e+00 : f32
    %broadcast_in_dim3A_374 = vector.broadcast %broadcast_in_dim3A_373 : f32 to vector<16xf32>
    %swap3A_375 = arith.constant 1488 : index
    %swap3A_376 = tpu.vector_load %arg9[%swap3A_375] {strides = array<i32>} : memref<2048xf32, #tpu.memory_space<vmem>>, vector<16xf32>,
    tpu.vector_store %arg9[%swap3A_375], %broadcast_in_dim3A_374 {strides = array<i32>} : memref<2048xf32, #tpu.memory_space<vmem>>, vector<16xf32>,
    %broadcast_in_dim3A_377 = arith.constant 0.000000e+00 : f32
    %broadcast_in_dim3A_378 = vector.broadcast %broadcast_in_dim3A_377 : f32 to vector<16xf32>
    %swap3A_379 = arith.constant 1504 : index
    %swap3A_380 = tpu.vector_load %arg9[%swap3A_379] {strides = array<i32>} : memref<2048xf32, #tpu.memory_space<vmem>>, vector<16xf32>,
    tpu.vector_store %arg9[%swap3A_379], %broadcast_in_dim3A_378 {strides = array<i32>} : memref<2048xf32, #tpu.memory_space<vmem>>, vector<16xf32>,
    %broadcast_in_dim3A_381 = arith.constant 0.000000e+00 : f32
    %broadcast_in_dim3A_382 = vector.broadcast %broadcast_in_dim3A_381 : f32 to vector<16xf32>
    %swap3A_383 = arith.constant 1520 : index
    %swap3A_384 = tpu.vector_load %arg9[%swap3A_383] {strides = array<i32>} : memref<2048xf32, #tpu.memory_space<vmem>>, vector<16xf32>,
    tpu.vector_store %arg9[%swap3A_383], %broadcast_in_dim3A_382 {strides = array<i32>} : memref<2048xf32, #tpu.memory_space<vmem>>, vector<16xf32>,
    %broadcast_in_dim3A_385 = arith.constant 0.000000e+00 : f32
    %broadcast_in_dim3A_386 = vector.broadcast %broadcast_in_dim3A_385 : f32 to vector<16xf32>
    %swap3A_387 = arith.constant 1536 : index
    %swap3A_388 = tpu.vector_load %arg9[%swap3A_387] {strides = array<i32>} : memref<2048xf32, #tpu.memory_space<vmem>>, vector<16xf32>,
    tpu.vector_store %arg9[%swap3A_387], %broadcast_in_dim3A_386 {strides = array<i32>} : memref<2048xf32, #tpu.memory_space<vmem>>, vector<16xf32>,
    %broadcast_in_dim3A_389 = arith.constant 0.000000e+00 : f32
    %broadcast_in_dim3A_390 = vector.broadcast %broadcast_in_dim3A_389 : f32 to vector<16xf32>
    %swap3A_391 = arith.constant 1552 : index
    %swap3A_392 = tpu.vector_load %arg9[%swap3A_391] {strides = array<i32>} : memref<2048xf32, #tpu.memory_space<vmem>>, vector<16xf32>,
    tpu.vector_store %arg9[%swap3A_391], %broadcast_in_dim3A_390 {strides = array<i32>} : memref<2048xf32, #tpu.memory_space<vmem>>, vector<16xf32>,
    %broadcast_in_dim3A_393 = arith.constant 0.000000e+00 : f32
    %broadcast_in_dim3A_394 = vector.broadcast %broadcast_in_dim3A_393 : f32 to vector<16xf32>
    %swap3A_395 = arith.constant 1568 : index
    %swap3A_396 = tpu.vector_load %arg9[%swap3A_395] {strides = array<i32>} : memref<2048xf32, #tpu.memory_space<vmem>>, vector<16xf32>,
    tpu.vector_store %arg9[%swap3A_395], %broadcast_in_dim3A_394 {strides = array<i32>} : memref<2048xf32, #tpu.memory_space<vmem>>, vector<16xf32>,
    %broadcast_in_dim3A_397 = arith.constant 0.000000e+00 : f32
    %broadcast_in_dim3A_398 = vector.broadcast %broadcast_in_dim3A_397 : f32 to vector<16xf32>
    %swap3A_399 = arith.constant 1584 : index
    %swap3A_400 = tpu.vector_load %arg9[%swap3A_399] {strides = array<i32>} : memref<2048xf32, #tpu.memory_space<vmem>>, vector<16xf32>,
    tpu.vector_store %arg9[%swap3A_399], %broadcast_in_dim3A_398 {strides = array<i32>} : memref<2048xf32, #tpu.memory_space<vmem>>, vector<16xf32>,
    %broadcast_in_dim3A_401 = arith.constant 0.000000e+00 : f32
    %broadcast_in_dim3A_402 = vector.broadcast %broadcast_in_dim3A_401 : f32 to vector<16xf32>
    %swap3A_403 = arith.constant 1600 : index
    %swap3A_404 = tpu.vector_load %arg9[%swap3A_403] {strides = array<i32>} : memref<2048xf32, #tpu.memory_space<vmem>>, vector<16xf32>,
    tpu.vector_store %arg9[%swap3A_403], %broadcast_in_dim3A_402 {strides = array<i32>} : memref<2048xf32, #tpu.memory_space<vmem>>, vector<16xf32>,
    %broadcast_in_dim3A_405 = arith.constant 0.000000e+00 : f32
    %broadcast_in_dim3A_406 = vector.broadcast %broadcast_in_dim3A_405 : f32 to vector<16xf32>
    %swap3A_407 = arith.constant 1616 : index
    %swap3A_408 = tpu.vector_load %arg9[%swap3A_407] {strides = array<i32>} : memref<2048xf32, #tpu.memory_space<vmem>>, vector<16xf32>,
    tpu.vector_store %arg9[%swap3A_407], %broadcast_in_dim3A_406 {strides = array<i32>} : memref<2048xf32, #tpu.memory_space<vmem>>, vector<16xf32>,
    %broadcast_in_dim3A_409 = arith.constant 0.000000e+00 : f32
    %broadcast_in_dim3A_410 = vector.broadcast %broadcast_in_dim3A_409 : f32 to vector<16xf32>
    %swap3A_411 = arith.constant 1632 : index
    %swap3A_412 = tpu.vector_load %arg9[%swap3A_411] {strides = array<i32>} : memref<2048xf32, #tpu.memory_space<vmem>>, vector<16xf32>,
    tpu.vector_store %arg9[%swap3A_411], %broadcast_in_dim3A_410 {strides = array<i32>} : memref<2048xf32, #tpu.memory_space<vmem>>, vector<16xf32>,
    %broadcast_in_dim3A_413 = arith.constant 0.000000e+00 : f32
    %broadcast_in_dim3A_414 = vector.broadcast %broadcast_in_dim3A_413 : f32 to vector<16xf32>
    %swap3A_415 = arith.constant 1648 : index
    %swap3A_416 = tpu.vector_load %arg9[%swap3A_415] {strides = array<i32>} : memref<2048xf32, #tpu.memory_space<vmem>>, vector<16xf32>,
    tpu.vector_store %arg9[%swap3A_415], %broadcast_in_dim3A_414 {strides = array<i32>} : memref<2048xf32, #tpu.memory_space<vmem>>, vector<16xf32>,
    %broadcast_in_dim3A_417 = arith.constant 0.000000e+00 : f32
    %broadcast_in_dim3A_418 = vector.broadcast %broadcast_in_dim3A_417 : f32 to vector<16xf32>
    %swap3A_419 = arith.constant 1664 : index
    %swap3A_420 = tpu.vector_load %arg9[%swap3A_419] {strides = array<i32>} : memref<2048xf32, #tpu.memory_space<vmem>>, vector<16xf32>,
    tpu.vector_store %arg9[%swap3A_419], %broadcast_in_dim3A_418 {strides = array<i32>} : memref<2048xf32, #tpu.memory_space<vmem>>, vector<16xf32>,
    %broadcast_in_dim3A_421 = arith.constant 0.000000e+00 : f32
    %broadcast_in_dim3A_422 = vector.broadcast %broadcast_in_dim3A_421 : f32 to vector<16xf32>
    %swap3A_423 = arith.constant 1680 : index
    %swap3A_424 = tpu.vector_load %arg9[%swap3A_423] {strides = array<i32>} : memref<2048xf32, #tpu.memory_space<vmem>>, vector<16xf32>,
    tpu.vector_store %arg9[%swap3A_423], %broadcast_in_dim3A_422 {strides = array<i32>} : memref<2048xf32, #tpu.memory_space<vmem>>, vector<16xf32>,
    %broadcast_in_dim3A_425 = arith.constant 0.000000e+00 : f32
    %broadcast_in_dim3A_426 = vector.broadcast %broadcast_in_dim3A_425 : f32 to vector<16xf32>
    %swap3A_427 = arith.constant 1696 : index
    %swap3A_428 = tpu.vector_load %arg9[%swap3A_427] {strides = array<i32>} : memref<2048xf32, #tpu.memory_space<vmem>>, vector<16xf32>,
    tpu.vector_store %arg9[%swap3A_427], %broadcast_in_dim3A_426 {strides = array<i32>} : memref<2048xf32, #tpu.memory_space<vmem>>, vector<16xf32>,
    %broadcast_in_dim3A_429 = arith.constant 0.000000e+00 : f32
    %broadcast_in_dim3A_430 = vector.broadcast %broadcast_in_dim3A_429 : f32 to vector<16xf32>
    %swap3A_431 = arith.constant 1712 : index
    %swap3A_432 = tpu.vector_load %arg9[%swap3A_431] {strides = array<i32>} : memref<2048xf32, #tpu.memory_space<vmem>>, vector<16xf32>,
    tpu.vector_store %arg9[%swap3A_431], %broadcast_in_dim3A_430 {strides = array<i32>} : memref<2048xf32, #tpu.memory_space<vmem>>, vector<16xf32>,
    %broadcast_in_dim3A_433 = arith.constant 0.000000e+00 : f32
    %broadcast_in_dim3A_434 = vector.broadcast %broadcast_in_dim3A_433 : f32 to vector<16xf32>
    %swap3A_435 = arith.constant 1728 : index
    %swap3A_436 = tpu.vector_load %arg9[%swap3A_435] {strides = array<i32>} : memref<2048xf32, #tpu.memory_space<vmem>>, vector<16xf32>,
    tpu.vector_store %arg9[%swap3A_435], %broadcast_in_dim3A_434 {strides = array<i32>} : memref<2048xf32, #tpu.memory_space<vmem>>, vector<16xf32>,
    %broadcast_in_dim3A_437 = arith.constant 0.000000e+00 : f32
    %broadcast_in_dim3A_438 = vector.broadcast %broadcast_in_dim3A_437 : f32 to vector<16xf32>
    %swap3A_439 = arith.constant 1744 : index
    %swap3A_440 = tpu.vector_load %arg9[%swap3A_439] {strides = array<i32>} : memref<2048xf32, #tpu.memory_space<vmem>>, vector<16xf32>,
    tpu.vector_store %arg9[%swap3A_439], %broadcast_in_dim3A_438 {strides = array<i32>} : memref<2048xf32, #tpu.memory_space<vmem>>, vector<16xf32>,
    %broadcast_in_dim3A_441 = arith.constant 0.000000e+00 : f32
    %broadcast_in_dim3A_442 = vector.broadcast %broadcast_in_dim3A_441 : f32 to vector<16xf32>
    %swap3A_443 = arith.constant 1760 : index
    %swap3A_444 = tpu.vector_load %arg9[%swap3A_443] {strides = array<i32>} : memref<2048xf32, #tpu.memory_space<vmem>>, vector<16xf32>,
    tpu.vector_store %arg9[%swap3A_443], %broadcast_in_dim3A_442 {strides = array<i32>} : memref<2048xf32, #tpu.memory_space<vmem>>, vector<16xf32>,
    %broadcast_in_dim3A_445 = arith.constant 0.000000e+00 : f32
    %broadcast_in_dim3A_446 = vector.broadcast %broadcast_in_dim3A_445 : f32 to vector<16xf32>
    %swap3A_447 = arith.constant 1776 : index
    %swap3A_448 = tpu.vector_load %arg9[%swap3A_447] {strides = array<i32>} : memref<2048xf32, #tpu.memory_space<vmem>>, vector<16xf32>,
    tpu.vector_store %arg9[%swap3A_447], %broadcast_in_dim3A_446 {strides = array<i32>} : memref<2048xf32, #tpu.memory_space<vmem>>, vector<16xf32>,
    %broadcast_in_dim3A_449 = arith.constant 0.000000e+00 : f32
    %broadcast_in_dim3A_450 = vector.broadcast %broadcast_in_dim3A_449 : f32 to vector<16xf32>
    %swap3A_451 = arith.constant 1792 : index
    %swap3A_452 = tpu.vector_load %arg9[%swap3A_451] {strides = array<i32>} : memref<2048xf32, #tpu.memory_space<vmem>>, vector<16xf32>,
    tpu.vector_store %arg9[%swap3A_451], %broadcast_in_dim3A_450 {strides = array<i32>} : memref<2048xf32, #tpu.memory_space<vmem>>, vector<16xf32>,
    %broadcast_in_dim3A_453 = arith.constant 0.000000e+00 : f32
    %broadcast_in_dim3A_454 = vector.broadcast %broadcast_in_dim3A_453 : f32 to vector<16xf32>
    %swap3A_455 = arith.constant 1808 : index
    %swap3A_456 = tpu.vector_load %arg9[%swap3A_455] {strides = array<i32>} : memref<2048xf32, #tpu.memory_space<vmem>>, vector<16xf32>,
    tpu.vector_store %arg9[%swap3A_455], %broadcast_in_dim3A_454 {strides = array<i32>} : memref<2048xf32, #tpu.memory_space<vmem>>, vector<16xf32>,
    %broadcast_in_dim3A_457 = arith.constant 0.000000e+00 : f32
    %broadcast_in_dim3A_458 = vector.broadcast %broadcast_in_dim3A_457 : f32 to vector<16xf32>
    %swap3A_459 = arith.constant 1824 : index
    %swap3A_460 = tpu.vector_load %arg9[%swap3A_459] {strides = array<i32>} : memref<2048xf32, #tpu.memory_space<vmem>>, vector<16xf32>,
    tpu.vector_store %arg9[%swap3A_459], %broadcast_in_dim3A_458 {strides = array<i32>} : memref<2048xf32, #tpu.memory_space<vmem>>, vector<16xf32>,
    %broadcast_in_dim3A_461 = arith.constant 0.000000e+00 : f32
    %broadcast_in_dim3A_462 = vector.broadcast %broadcast_in_dim3A_461 : f32 to vector<16xf32>
    %swap3A_463 = arith.constant 1840 : index
    %swap3A_464 = tpu.vector_load %arg9[%swap3A_463] {strides = array<i32>} : memref<2048xf32, #tpu.memory_space<vmem>>, vector<16xf32>,
    tpu.vector_store %arg9[%swap3A_463], %broadcast_in_dim3A_462 {strides = array<i32>} : memref<2048xf32, #tpu.memory_space<vmem>>, vector<16xf32>,
    %broadcast_in_dim3A_465 = arith.constant 0.000000e+00 : f32
    %broadcast_in_dim3A_466 = vector.broadcast %broadcast_in_dim3A_465 : f32 to vector<16xf32>
    %swap3A_467 = arith.constant 1856 : index
    %swap3A_468 = tpu.vector_load %arg9[%swap3A_467] {strides = array<i32>} : memref<2048xf32, #tpu.memory_space<vmem>>, vector<16xf32>,
    tpu.vector_store %arg9[%swap3A_467], %broadcast_in_dim3A_466 {strides = array<i32>} : memref<2048xf32, #tpu.memory_space<vmem>>, vector<16xf32>,
    %broadcast_in_dim3A_469 = arith.constant 0.000000e+00 : f32
    %broadcast_in_dim3A_470 = vector.broadcast %broadcast_in_dim3A_469 : f32 to vector<16xf32>
    %swap3A_471 = arith.constant 1872 : index
    %swap3A_472 = tpu.vector_load %arg9[%swap3A_471] {strides = array<i32>} : memref<2048xf32, #tpu.memory_space<vmem>>, vector<16xf32>,
    tpu.vector_store %arg9[%swap3A_471], %broadcast_in_dim3A_470 {strides = array<i32>} : memref<2048xf32, #tpu.memory_space<vmem>>, vector<16xf32>,
    %broadcast_in_dim3A_473 = arith.constant 0.000000e+00 : f32
    %broadcast_in_dim3A_474 = vector.broadcast %broadcast_in_dim3A_473 : f32 to vector<16xf32>
    %swap3A_475 = arith.constant 1888 : index
    %swap3A_476 = tpu.vector_load %arg9[%swap3A_475] {strides = array<i32>} : memref<2048xf32, #tpu.memory_space<vmem>>, vector<16xf32>,
    tpu.vector_store %arg9[%swap3A_475], %broadcast_in_dim3A_474 {strides = array<i32>} : memref<2048xf32, #tpu.memory_space<vmem>>, vector<16xf32>,
    %broadcast_in_dim3A_477 = arith.constant 0.000000e+00 : f32
    %broadcast_in_dim3A_478 = vector.broadcast %broadcast_in_dim3A_477 : f32 to vector<16xf32>
    %swap3A_479 = arith.constant 1904 : index
    %swap3A_480 = tpu.vector_load %arg9[%swap3A_479] {strides = array<i32>} : memref<2048xf32, #tpu.memory_space<vmem>>, vector<16xf32>,
    tpu.vector_store %arg9[%swap3A_479], %broadcast_in_dim3A_478 {strides = array<i32>} : memref<2048xf32, #tpu.memory_space<vmem>>, vector<16xf32>,
    %broadcast_in_dim3A_481 = arith.constant 0.000000e+00 : f32
    %broadcast_in_dim3A_482 = vector.broadcast %broadcast_in_dim3A_481 : f32 to vector<16xf32>
    %swap3A_483 = arith.constant 1920 : index
    %swap3A_484 = tpu.vector_load %arg9[%swap3A_483] {strides = array<i32>} : memref<2048xf32, #tpu.memory_space<vmem>>, vector<16xf32>,
    tpu.vector_store %arg9[%swap3A_483], %broadcast_in_dim3A_482 {strides = array<i32>} : memref<2048xf32, #tpu.memory_space<vmem>>, vector<16xf32>,
    %broadcast_in_dim3A_485 = arith.constant 0.000000e+00 : f32
    %broadcast_in_dim3A_486 = vector.broadcast %broadcast_in_dim3A_485 : f32 to vector<16xf32>
    %swap3A_487 = arith.constant 1936 : index
    %swap3A_488 = tpu.vector_load %arg9[%swap3A_487] {strides = array<i32>} : memref<2048xf32, #tpu.memory_space<vmem>>, vector<16xf32>,
    tpu.vector_store %arg9[%swap3A_487], %broadcast_in_dim3A_486 {strides = array<i32>} : memref<2048xf32, #tpu.memory_space<vmem>>, vector<16xf32>,
    %broadcast_in_dim3A_489 = arith.constant 0.000000e+00 : f32
    %broadcast_in_dim3A_490 = vector.broadcast %broadcast_in_dim3A_489 : f32 to vector<16xf32>
    %swap3A_491 = arith.constant 1952 : index
    %swap3A_492 = tpu.vector_load %arg9[%swap3A_491] {strides = array<i32>} : memref<2048xf32, #tpu.memory_space<vmem>>, vector<16xf32>,
    tpu.vector_store %arg9[%swap3A_491], %broadcast_in_dim3A_490 {strides = array<i32>} : memref<2048xf32, #tpu.memory_space<vmem>>, vector<16xf32>,
    %broadcast_in_dim3A_493 = arith.constant 0.000000e+00 : f32
    %broadcast_in_dim3A_494 = vector.broadcast %broadcast_in_dim3A_493 : f32 to vector<16xf32>
    %swap3A_495 = arith.constant 1968 : index
    %swap3A_496 = tpu.vector_load %arg9[%swap3A_495] {strides = array<i32>} : memref<2048xf32, #tpu.memory_space<vmem>>, vector<16xf32>,
    tpu.vector_store %arg9[%swap3A_495], %broadcast_in_dim3A_494 {strides = array<i32>} : memref<2048xf32, #tpu.memory_space<vmem>>, vector<16xf32>,
    %broadcast_in_dim3A_497 = arith.constant 0.000000e+00 : f32
    %broadcast_in_dim3A_498 = vector.broadcast %broadcast_in_dim3A_497 : f32 to vector<16xf32>
    %swap3A_499 = arith.constant 1984 : index
    %swap3A_500 = tpu.vector_load %arg9[%swap3A_499] {strides = array<i32>} : memref<2048xf32, #tpu.memory_space<vmem>>, vector<16xf32>,
    tpu.vector_store %arg9[%swap3A_499], %broadcast_in_dim3A_498 {strides = array<i32>} : memref<2048xf32, #tpu.memory_space<vmem>>, vector<16xf32>,
    %broadcast_in_dim3A_501 = arith.constant 0.000000e+00 : f32
    %broadcast_in_dim3A_502 = vector.broadcast %broadcast_in_dim3A_501 : f32 to vector<16xf32>
    %swap3A_503 = arith.constant 2000 : index
    %swap3A_504 = tpu.vector_load %arg9[%swap3A_503] {strides = array<i32>} : memref<2048xf32, #tpu.memory_space<vmem>>, vector<16xf32>,
    tpu.vector_store %arg9[%swap3A_503], %broadcast_in_dim3A_502 {strides = array<i32>} : memref<2048xf32, #tpu.memory_space<vmem>>, vector<16xf32>,
    %broadcast_in_dim3A_505 = arith.constant 0.000000e+00 : f32
    %broadcast_in_dim3A_506 = vector.broadcast %broadcast_in_dim3A_505 : f32 to vector<16xf32>
    %swap3A_507 = arith.constant 2016 : index
    %swap3A_508 = tpu.vector_load %arg9[%swap3A_507] {strides = array<i32>} : memref<2048xf32, #tpu.memory_space<vmem>>, vector<16xf32>,
    tpu.vector_store %arg9[%swap3A_507], %broadcast_in_dim3A_506 {strides = array<i32>} : memref<2048xf32, #tpu.memory_space<vmem>>, vector<16xf32>,
    %broadcast_in_dim3A_509 = arith.constant 0.000000e+00 : f32
    %broadcast_in_dim3A_510 = vector.broadcast %broadcast_in_dim3A_509 : f32 to vector<16xf32>
    %swap3A_511 = arith.constant 2032 : index
    %swap3A_512 = tpu.vector_load %arg9[%swap3A_511] {strides = array<i32>} : memref<2048xf32, #tpu.memory_space<vmem>>, vector<16xf32>,
    tpu.vector_store %arg9[%swap3A_511], %broadcast_in_dim3A_510 {strides = array<i32>} : memref<2048xf32, #tpu.memory_space<vmem>>, vector<16xf32>,
    %broadcast_in_dim3A_513 = arith.constant 0.000000e+00 : f32
    %broadcast_in_dim3A_514 = vector.broadcast %broadcast_in_dim3A_513 : f32 to vector<16xf32>
    %broadcast_in_dim3A_515 = arith.constant 0.000000e+00 : f32
    %broadcast_in_dim3A_516 = vector.broadcast %broadcast_in_dim3A_515 : f32 to vector<16xf32>
    %scan3A = arith.constant 0 : i32
    %scan3A_517 = arith.constant 64 : i32
    %scan3A_518 = arith.addi %scan3A, %scan3A_517 : i32
    %scan3A_519 = arith.constant 1 : i32
    %scan3A_520:2 = scf.for %scan3A_919 = %scan3A to %scan3A_518 step %scan3A_519 iter_args(%scan3A_920 = %broadcast_in_dim3A_514, %scan3A_921 = %broadcast_in_dim3A_516) -> (vector<16xf32>, vector<16xf32>)  : i32 {
      %mul3A_922 = arith.constant 4 : i32
      %mul3A_923 = arith.muli %scan3A_919, %mul3A_922 : i32
      %add3A_924 = arith.constant 0 : i32
      %add3A_925 = arith.addi %mul3A_923, %add3A_924 : i32
      %mul3A_926 = arith.constant 16 : i32
      %mul3A_927 = arith.muli %add3A_925, %mul3A_926 : i32
      %get3A_928 = arith.index_cast %mul3A_927 : i32 to index
      %get3A_929 = tpu.vector_load %arg6[%get3A_928] {strides = array<i32>} : memref<4096xi32, #tpu.memory_space<vmem>>, vector<16xi32>,
      %get3A_930 = arith.index_cast %mul3A_927 : i32 to index
      %get3A_931 = tpu.vector_load %arg7[%get3A_930] {strides = array<i32>} : memref<4096xi32, #tpu.memory_space<vmem>>, vector<16xi32>,
      %get3A_932 = arith.index_cast %mul3A_927 : i32 to index
      %get3A_933 = tpu.vector_load %arg8[%get3A_932] {strides = array<i32>} : memref<4096xf32, #tpu.memory_space<vmem>>, vector<16xf32>,
      %sub3A = vector.broadcast %mul3A_2 : i32 to vector<16xi32>
      %sub3A_934 = arith.subi %get3A_931, %sub3A : vector<16xi32>
      %ge3A = arith.constant 0 : i32
      %ge3A_935 = vector.broadcast %ge3A : i32 to vector<16xi32>
      %ge3A_936 = arith.cmpi sge, %sub3A_934, %ge3A_935 : vector<16xi32>
      %lt3A = arith.constant 2 : i32
      %lt3A_937 = vector.broadcast %lt3A : i32 to vector<16xi32>
      %lt3A_938 = arith.cmpi slt, %sub3A_934, %lt3A_937 : vector<16xi32>
      %and3A = arith.andi %ge3A_936, %lt3A_938 : vector<16xi1>
      %add3A_939 = arith.constant 0 : i32
      %add3A_940 = arith.addi %mul3A_2, %add3A_939 : i32
      %eq3A = vector.broadcast %add3A_940 : i32 to vector<16xi32>
      %eq3A_941 = arith.cmpi eq, %get3A_931, %eq3A : vector<16xi32>
      %jit3A = arith.constant 1.000000e+00 : f32
      %jit3A_942 = arith.constant 0.000000e+00 : f32
      %broadcast_in_dim3A_943 = vector.broadcast %jit3A : f32 to vector<16xf32>
      %broadcast_in_dim3A_944 = vector.broadcast %jit3A_942 : f32 to vector<16xf32>
      %select_n3A = arith.select %eq3A_941, %broadcast_in_dim3A_943, %broadcast_in_dim3A_944 : vector<16xi1>, vector<16xf32>
      %add3A_945 = arith.addf %scan3A_920, %select_n3A : vector<16xf32>
      %add3A_946 = arith.constant 1 : i32
      %add3A_947 = arith.addi %mul3A_2, %add3A_946 : i32
      %eq3A_948 = vector.broadcast %add3A_947 : i32 to vector<16xi32>
      %eq3A_949 = arith.cmpi eq, %get3A_931, %eq3A_948 : vector<16xi32>
      %jit3A_950 = arith.constant 1.000000e+00 : f32
      %jit3A_951 = arith.constant 0.000000e+00 : f32
      %broadcast_in_dim3A_952 = vector.broadcast %jit3A_950 : f32 to vector<16xf32>
      %broadcast_in_dim3A_953 = vector.broadcast %jit3A_951 : f32 to vector<16xf32>
      %select_n3A_954 = arith.select %eq3A_949, %broadcast_in_dim3A_952, %broadcast_in_dim3A_953 : vector<16xi1>, vector<16xf32>
      %add3A_955 = arith.addf %scan3A_921, %select_n3A_954 : vector<16xf32>
      %lt3A_956 = arith.constant 64 : i32
      %lt3A_957 = vector.broadcast %lt3A_956 : i32 to vector<16xi32>
      %lt3A_958 = arith.cmpi slt, %get3A_929, %lt3A_957 : vector<16xi32>
      %and3A_959 = arith.andi %and3A, %lt3A_958 : vector<16xi1>
      %mul3A_960 = arith.constant 128 : i32
      %mul3A_961 = vector.broadcast %mul3A_960 : i32 to vector<16xi32>
      %mul3A_962 = arith.muli %iota3A, %mul3A_961 : vector<16xi32>
      %jit3A_963 = arith.constant 0 : i32
      %broadcast_in_dim3A_964 = vector.broadcast %jit3A_963 : i32 to vector<16xi32>
      %select_n3A_965 = arith.select %and3A_959, %sub3A_934, %broadcast_in_dim3A_964 : vector<16xi1>, vector<16xi32>
      %mul3A_966 = arith.constant 64 : i32
      %mul3A_967 = vector.broadcast %mul3A_966 : i32 to vector<16xi32>
      %mul3A_968 = arith.muli %select_n3A_965, %mul3A_967 : vector<16xi32>
      %add3A_969 = arith.addi %mul3A_962, %mul3A_968 : vector<16xi32>
      %jit3A_970 = arith.constant 0 : i32
      %broadcast_in_dim3A_971 = vector.broadcast %jit3A_970 : i32 to vector<16xi32>
      %select_n3A_972 = arith.select %and3A_959, %get3A_929, %broadcast_in_dim3A_971 : vector<16xi1>, vector<16xi32>
      %add3A_973 = arith.addi %add3A_969, %select_n3A_972 : vector<16xi32>
      %jit3A_974 = arith.constant 0.000000e+00 : f32
      %broadcast_in_dim3A_975 = vector.broadcast %jit3A_974 : f32 to vector<16xf32>
      %select_n3A_976 = arith.select %and3A_959, %get3A_933, %broadcast_in_dim3A_975 : vector<16xi1>, vector<16xf32>
      tpu.vector_store_idx %arg9[%add3A_973], %select_n3A_976 masked %and3A_959 {add = true} : memref<2048xf32, #tpu.memory_space<vmem>>[vector<16xi32>], vector<16xf32>, vector<16xi1>
      %mul3A_977 = arith.constant 4 : i32
      %mul3A_978 = arith.muli %scan3A_919, %mul3A_977 : i32
      %add3A_979 = arith.constant 1 : i32
      %add3A_980 = arith.addi %mul3A_978, %add3A_979 : i32
      %mul3A_981 = arith.constant 16 : i32
      %mul3A_982 = arith.muli %add3A_980, %mul3A_981 : i32
      %get3A_983 = arith.index_cast %mul3A_982 : i32 to index
      %get3A_984 = tpu.vector_load %arg6[%get3A_983] {strides = array<i32>} : memref<4096xi32, #tpu.memory_space<vmem>>, vector<16xi32>,
      %get3A_985 = arith.index_cast %mul3A_982 : i32 to index
      %get3A_986 = tpu.vector_load %arg7[%get3A_985] {strides = array<i32>} : memref<4096xi32, #tpu.memory_space<vmem>>, vector<16xi32>,
      %get3A_987 = arith.index_cast %mul3A_982 : i32 to index
      %get3A_988 = tpu.vector_load %arg8[%get3A_987] {strides = array<i32>} : memref<4096xf32, #tpu.memory_space<vmem>>, vector<16xf32>,
      %sub3A_989 = vector.broadcast %mul3A_2 : i32 to vector<16xi32>
      %sub3A_990 = arith.subi %get3A_986, %sub3A_989 : vector<16xi32>
      %ge3A_991 = arith.constant 0 : i32
      %ge3A_992 = vector.broadcast %ge3A_991 : i32 to vector<16xi32>
      %ge3A_993 = arith.cmpi sge, %sub3A_990, %ge3A_992 : vector<16xi32>
      %lt3A_994 = arith.constant 2 : i32
      %lt3A_995 = vector.broadcast %lt3A_994 : i32 to vector<16xi32>
      %lt3A_996 = arith.cmpi slt, %sub3A_990, %lt3A_995 : vector<16xi32>
      %and3A_997 = arith.andi %ge3A_993, %lt3A_996 : vector<16xi1>
      %add3A_998 = arith.constant 0 : i32
      %add3A_999 = arith.addi %mul3A_2, %add3A_998 : i32
      %eq3A_1000 = vector.broadcast %add3A_999 : i32 to vector<16xi32>
      %eq3A_1001 = arith.cmpi eq, %get3A_986, %eq3A_1000 : vector<16xi32>
      %jit3A_1002 = arith.constant 1.000000e+00 : f32
      %jit3A_1003 = arith.constant 0.000000e+00 : f32
      %broadcast_in_dim3A_1004 = vector.broadcast %jit3A_1002 : f32 to vector<16xf32>
      %broadcast_in_dim3A_1005 = vector.broadcast %jit3A_1003 : f32 to vector<16xf32>
      %select_n3A_1006 = arith.select %eq3A_1001, %broadcast_in_dim3A_1004, %broadcast_in_dim3A_1005 : vector<16xi1>, vector<16xf32>
      %add3A_1007 = arith.addf %add3A_945, %select_n3A_1006 : vector<16xf32>
      %add3A_1008 = arith.constant 1 : i32
      %add3A_1009 = arith.addi %mul3A_2, %add3A_1008 : i32
      %eq3A_1010 = vector.broadcast %add3A_1009 : i32 to vector<16xi32>
      %eq3A_1011 = arith.cmpi eq, %get3A_986, %eq3A_1010 : vector<16xi32>
      %jit3A_1012 = arith.constant 1.000000e+00 : f32
      %jit3A_1013 = arith.constant 0.000000e+00 : f32
      %broadcast_in_dim3A_1014 = vector.broadcast %jit3A_1012 : f32 to vector<16xf32>
      %broadcast_in_dim3A_1015 = vector.broadcast %jit3A_1013 : f32 to vector<16xf32>
      %select_n3A_1016 = arith.select %eq3A_1011, %broadcast_in_dim3A_1014, %broadcast_in_dim3A_1015 : vector<16xi1>, vector<16xf32>
      %add3A_1017 = arith.addf %add3A_955, %select_n3A_1016 : vector<16xf32>
      %lt3A_1018 = arith.constant 64 : i32
      %lt3A_1019 = vector.broadcast %lt3A_1018 : i32 to vector<16xi32>
      %lt3A_1020 = arith.cmpi slt, %get3A_984, %lt3A_1019 : vector<16xi32>
      %and3A_1021 = arith.andi %and3A_997, %lt3A_1020 : vector<16xi1>
      %mul3A_1022 = arith.constant 128 : i32
      %mul3A_1023 = vector.broadcast %mul3A_1022 : i32 to vector<16xi32>
      %mul3A_1024 = arith.muli %iota3A, %mul3A_1023 : vector<16xi32>
      %jit3A_1025 = arith.constant 0 : i32
      %broadcast_in_dim3A_1026 = vector.broadcast %jit3A_1025 : i32 to vector<16xi32>
      %select_n3A_1027 = arith.select %and3A_1021, %sub3A_990, %broadcast_in_dim3A_1026 : vector<16xi1>, vector<16xi32>
      %mul3A_1028 = arith.constant 64 : i32
      %mul3A_1029 = vector.broadcast %mul3A_1028 : i32 to vector<16xi32>
      %mul3A_1030 = arith.muli %select_n3A_1027, %mul3A_1029 : vector<16xi32>
      %add3A_1031 = arith.addi %mul3A_1024, %mul3A_1030 : vector<16xi32>
      %jit3A_1032 = arith.constant 0 : i32
      %broadcast_in_dim3A_1033 = vector.broadcast %jit3A_1032 : i32 to vector<16xi32>
      %select_n3A_1034 = arith.select %and3A_1021, %get3A_984, %broadcast_in_dim3A_1033 : vector<16xi1>, vector<16xi32>
      %add3A_1035 = arith.addi %add3A_1031, %select_n3A_1034 : vector<16xi32>
      %jit3A_1036 = arith.constant 0.000000e+00 : f32
      %broadcast_in_dim3A_1037 = vector.broadcast %jit3A_1036 : f32 to vector<16xf32>
      %select_n3A_1038 = arith.select %and3A_1021, %get3A_988, %broadcast_in_dim3A_1037 : vector<16xi1>, vector<16xf32>
      tpu.vector_store_idx %arg9[%add3A_1035], %select_n3A_1038 masked %and3A_1021 {add = true} : memref<2048xf32, #tpu.memory_space<vmem>>[vector<16xi32>], vector<16xf32>, vector<16xi1>
      %mul3A_1039 = arith.constant 4 : i32
      %mul3A_1040 = arith.muli %scan3A_919, %mul3A_1039 : i32
      %add3A_1041 = arith.constant 2 : i32
      %add3A_1042 = arith.addi %mul3A_1040, %add3A_1041 : i32
      %mul3A_1043 = arith.constant 16 : i32
      %mul3A_1044 = arith.muli %add3A_1042, %mul3A_1043 : i32
      %get3A_1045 = arith.index_cast %mul3A_1044 : i32 to index
      %get3A_1046 = tpu.vector_load %arg6[%get3A_1045] {strides = array<i32>} : memref<4096xi32, #tpu.memory_space<vmem>>, vector<16xi32>,
      %get3A_1047 = arith.index_cast %mul3A_1044 : i32 to index
      %get3A_1048 = tpu.vector_load %arg7[%get3A_1047] {strides = array<i32>} : memref<4096xi32, #tpu.memory_space<vmem>>, vector<16xi32>,
      %get3A_1049 = arith.index_cast %mul3A_1044 : i32 to index
      %get3A_1050 = tpu.vector_load %arg8[%get3A_1049] {strides = array<i32>} : memref<4096xf32, #tpu.memory_space<vmem>>, vector<16xf32>,
      %sub3A_1051 = vector.broadcast %mul3A_2 : i32 to vector<16xi32>
      %sub3A_1052 = arith.subi %get3A_1048, %sub3A_1051 : vector<16xi32>
      %ge3A_1053 = arith.constant 0 : i32
      %ge3A_1054 = vector.broadcast %ge3A_1053 : i32 to vector<16xi32>
      %ge3A_1055 = arith.cmpi sge, %sub3A_1052, %ge3A_1054 : vector<16xi32>
      %lt3A_1056 = arith.constant 2 : i32
      %lt3A_1057 = vector.broadcast %lt3A_1056 : i32 to vector<16xi32>
      %lt3A_1058 = arith.cmpi slt, %sub3A_1052, %lt3A_1057 : vector<16xi32>
      %and3A_1059 = arith.andi %ge3A_1055, %lt3A_1058 : vector<16xi1>
      %add3A_1060 = arith.constant 0 : i32
      %add3A_1061 = arith.addi %mul3A_2, %add3A_1060 : i32
      %eq3A_1062 = vector.broadcast %add3A_1061 : i32 to vector<16xi32>
      %eq3A_1063 = arith.cmpi eq, %get3A_1048, %eq3A_1062 : vector<16xi32>
      %jit3A_1064 = arith.constant 1.000000e+00 : f32
      %jit3A_1065 = arith.constant 0.000000e+00 : f32
      %broadcast_in_dim3A_1066 = vector.broadcast %jit3A_1064 : f32 to vector<16xf32>
      %broadcast_in_dim3A_1067 = vector.broadcast %jit3A_1065 : f32 to vector<16xf32>
      %select_n3A_1068 = arith.select %eq3A_1063, %broadcast_in_dim3A_1066, %broadcast_in_dim3A_1067 : vector<16xi1>, vector<16xf32>
      %add3A_1069 = arith.addf %add3A_1007, %select_n3A_1068 : vector<16xf32>
      %add3A_1070 = arith.constant 1 : i32
      %add3A_1071 = arith.addi %mul3A_2, %add3A_1070 : i32
      %eq3A_1072 = vector.broadcast %add3A_1071 : i32 to vector<16xi32>
      %eq3A_1073 = arith.cmpi eq, %get3A_1048, %eq3A_1072 : vector<16xi32>
      %jit3A_1074 = arith.constant 1.000000e+00 : f32
      %jit3A_1075 = arith.constant 0.000000e+00 : f32
      %broadcast_in_dim3A_1076 = vector.broadcast %jit3A_1074 : f32 to vector<16xf32>
      %broadcast_in_dim3A_1077 = vector.broadcast %jit3A_1075 : f32 to vector<16xf32>
      %select_n3A_1078 = arith.select %eq3A_1073, %broadcast_in_dim3A_1076, %broadcast_in_dim3A_1077 : vector<16xi1>, vector<16xf32>
      %add3A_1079 = arith.addf %add3A_1017, %select_n3A_1078 : vector<16xf32>
      %lt3A_1080 = arith.constant 64 : i32
      %lt3A_1081 = vector.broadcast %lt3A_1080 : i32 to vector<16xi32>
      %lt3A_1082 = arith.cmpi slt, %get3A_1046, %lt3A_1081 : vector<16xi32>
      %and3A_1083 = arith.andi %and3A_1059, %lt3A_1082 : vector<16xi1>
      %mul3A_1084 = arith.constant 128 : i32
      %mul3A_1085 = vector.broadcast %mul3A_1084 : i32 to vector<16xi32>
      %mul3A_1086 = arith.muli %iota3A, %mul3A_1085 : vector<16xi32>
      %jit3A_1087 = arith.constant 0 : i32
      %broadcast_in_dim3A_1088 = vector.broadcast %jit3A_1087 : i32 to vector<16xi32>
      %select_n3A_1089 = arith.select %and3A_1083, %sub3A_1052, %broadcast_in_dim3A_1088 : vector<16xi1>, vector<16xi32>
      %mul3A_1090 = arith.constant 64 : i32
      %mul3A_1091 = vector.broadcast %mul3A_1090 : i32 to vector<16xi32>
      %mul3A_1092 = arith.muli %select_n3A_1089, %mul3A_1091 : vector<16xi32>
      %add3A_1093 = arith.addi %mul3A_1086, %mul3A_1092 : vector<16xi32>
      %jit3A_1094 = arith.constant 0 : i32
      %broadcast_in_dim3A_1095 = vector.broadcast %jit3A_1094 : i32 to vector<16xi32>
      %select_n3A_1096 = arith.select %and3A_1083, %get3A_1046, %broadcast_in_dim3A_1095 : vector<16xi1>, vector<16xi32>
      %add3A_1097 = arith.addi %add3A_1093, %select_n3A_1096 : vector<16xi32>
      %jit3A_1098 = arith.constant 0.000000e+00 : f32
      %broadcast_in_dim3A_1099 = vector.broadcast %jit3A_1098 : f32 to vector<16xf32>
      %select_n3A_1100 = arith.select %and3A_1083, %get3A_1050, %broadcast_in_dim3A_1099 : vector<16xi1>, vector<16xf32>
      tpu.vector_store_idx %arg9[%add3A_1097], %select_n3A_1100 masked %and3A_1083 {add = true} : memref<2048xf32, #tpu.memory_space<vmem>>[vector<16xi32>], vector<16xf32>, vector<16xi1>
      %mul3A_1101 = arith.constant 4 : i32
      %mul3A_1102 = arith.muli %scan3A_919, %mul3A_1101 : i32
      %add3A_1103 = arith.constant 3 : i32
      %add3A_1104 = arith.addi %mul3A_1102, %add3A_1103 : i32
      %mul3A_1105 = arith.constant 16 : i32
      %mul3A_1106 = arith.muli %add3A_1104, %mul3A_1105 : i32
      %get3A_1107 = arith.index_cast %mul3A_1106 : i32 to index
      %get3A_1108 = tpu.vector_load %arg6[%get3A_1107] {strides = array<i32>} : memref<4096xi32, #tpu.memory_space<vmem>>, vector<16xi32>,
      %get3A_1109 = arith.index_cast %mul3A_1106 : i32 to index
      %get3A_1110 = tpu.vector_load %arg7[%get3A_1109] {strides = array<i32>} : memref<4096xi32, #tpu.memory_space<vmem>>, vector<16xi32>,
      %get3A_1111 = arith.index_cast %mul3A_1106 : i32 to index
      %get3A_1112 = tpu.vector_load %arg8[%get3A_1111] {strides = array<i32>} : memref<4096xf32, #tpu.memory_space<vmem>>, vector<16xf32>,
      %sub3A_1113 = vector.broadcast %mul3A_2 : i32 to vector<16xi32>
      %sub3A_1114 = arith.subi %get3A_1110, %sub3A_1113 : vector<16xi32>
      %ge3A_1115 = arith.constant 0 : i32
      %ge3A_1116 = vector.broadcast %ge3A_1115 : i32 to vector<16xi32>
      %ge3A_1117 = arith.cmpi sge, %sub3A_1114, %ge3A_1116 : vector<16xi32>
      %lt3A_1118 = arith.constant 2 : i32
      %lt3A_1119 = vector.broadcast %lt3A_1118 : i32 to vector<16xi32>
      %lt3A_1120 = arith.cmpi slt, %sub3A_1114, %lt3A_1119 : vector<16xi32>
      %and3A_1121 = arith.andi %ge3A_1117, %lt3A_1120 : vector<16xi1>
      %add3A_1122 = arith.constant 0 : i32
      %add3A_1123 = arith.addi %mul3A_2, %add3A_1122 : i32
      %eq3A_1124 = vector.broadcast %add3A_1123 : i32 to vector<16xi32>
      %eq3A_1125 = arith.cmpi eq, %get3A_1110, %eq3A_1124 : vector<16xi32>
      %jit3A_1126 = arith.constant 1.000000e+00 : f32
      %jit3A_1127 = arith.constant 0.000000e+00 : f32
      %broadcast_in_dim3A_1128 = vector.broadcast %jit3A_1126 : f32 to vector<16xf32>
      %broadcast_in_dim3A_1129 = vector.broadcast %jit3A_1127 : f32 to vector<16xf32>
      %select_n3A_1130 = arith.select %eq3A_1125, %broadcast_in_dim3A_1128, %broadcast_in_dim3A_1129 : vector<16xi1>, vector<16xf32>
      %add3A_1131 = arith.addf %add3A_1069, %select_n3A_1130 : vector<16xf32>
      %add3A_1132 = arith.constant 1 : i32
      %add3A_1133 = arith.addi %mul3A_2, %add3A_1132 : i32
      %eq3A_1134 = vector.broadcast %add3A_1133 : i32 to vector<16xi32>
      %eq3A_1135 = arith.cmpi eq, %get3A_1110, %eq3A_1134 : vector<16xi32>
      %jit3A_1136 = arith.constant 1.000000e+00 : f32
      %jit3A_1137 = arith.constant 0.000000e+00 : f32
      %broadcast_in_dim3A_1138 = vector.broadcast %jit3A_1136 : f32 to vector<16xf32>
      %broadcast_in_dim3A_1139 = vector.broadcast %jit3A_1137 : f32 to vector<16xf32>
      %select_n3A_1140 = arith.select %eq3A_1135, %broadcast_in_dim3A_1138, %broadcast_in_dim3A_1139 : vector<16xi1>, vector<16xf32>
      %add3A_1141 = arith.addf %add3A_1079, %select_n3A_1140 : vector<16xf32>
      %lt3A_1142 = arith.constant 64 : i32
      %lt3A_1143 = vector.broadcast %lt3A_1142 : i32 to vector<16xi32>
      %lt3A_1144 = arith.cmpi slt, %get3A_1108, %lt3A_1143 : vector<16xi32>
      %and3A_1145 = arith.andi %and3A_1121, %lt3A_1144 : vector<16xi1>
      %mul3A_1146 = arith.constant 128 : i32
      %mul3A_1147 = vector.broadcast %mul3A_1146 : i32 to vector<16xi32>
      %mul3A_1148 = arith.muli %iota3A, %mul3A_1147 : vector<16xi32>
      %jit3A_1149 = arith.constant 0 : i32
      %broadcast_in_dim3A_1150 = vector.broadcast %jit3A_1149 : i32 to vector<16xi32>
      %select_n3A_1151 = arith.select %and3A_1145, %sub3A_1114, %broadcast_in_dim3A_1150 : vector<16xi1>, vector<16xi32>
      %mul3A_1152 = arith.constant 64 : i32
      %mul3A_1153 = vector.broadcast %mul3A_1152 : i32 to vector<16xi32>
      %mul3A_1154 = arith.muli %select_n3A_1151, %mul3A_1153 : vector<16xi32>
      %add3A_1155 = arith.addi %mul3A_1148, %mul3A_1154 : vector<16xi32>
      %jit3A_1156 = arith.constant 0 : i32
      %broadcast_in_dim3A_1157 = vector.broadcast %jit3A_1156 : i32 to vector<16xi32>
      %select_n3A_1158 = arith.select %and3A_1145, %get3A_1108, %broadcast_in_dim3A_1157 : vector<16xi1>, vector<16xi32>
      %add3A_1159 = arith.addi %add3A_1155, %select_n3A_1158 : vector<16xi32>
      %jit3A_1160 = arith.constant 0.000000e+00 : f32
      %broadcast_in_dim3A_1161 = vector.broadcast %jit3A_1160 : f32 to vector<16xf32>
      %select_n3A_1162 = arith.select %and3A_1145, %get3A_1112, %broadcast_in_dim3A_1161 : vector<16xi1>, vector<16xf32>
      tpu.vector_store_idx %arg9[%add3A_1159], %select_n3A_1162 masked %and3A_1145 {add = true} : memref<2048xf32, #tpu.memory_space<vmem>>[vector<16xi32>], vector<16xf32>, vector<16xi1>
      scf.yield %add3A_1131, %add3A_1141 : vector<16xf32>, vector<16xf32>
    }
    %scan3A_521 = arith.constant 64 : i32
    %get3A = arith.constant 0 : index
    %get3A_522 = tpu.vector_load %arg9[%get3A] {strides = array<i32>} : memref<2048xf32, #tpu.memory_space<vmem>>, vector<16xf32>,
    %get3A_523 = arith.constant 128 : index
    %get3A_524 = tpu.vector_load %arg9[%get3A_523] {strides = array<i32>} : memref<2048xf32, #tpu.memory_space<vmem>>, vector<16xf32>,
    %add3A_525 = arith.addf %get3A_522, %get3A_524 : vector<16xf32>
    %get3A_526 = arith.constant 256 : index
    %get3A_527 = tpu.vector_load %arg9[%get3A_526] {strides = array<i32>} : memref<2048xf32, #tpu.memory_space<vmem>>, vector<16xf32>,
    %add3A_528 = arith.addf %add3A_525, %get3A_527 : vector<16xf32>
    %get3A_529 = arith.constant 384 : index
    %get3A_530 = tpu.vector_load %arg9[%get3A_529] {strides = array<i32>} : memref<2048xf32, #tpu.memory_space<vmem>>, vector<16xf32>,
    %add3A_531 = arith.addf %add3A_528, %get3A_530 : vector<16xf32>
    %get3A_532 = arith.constant 512 : index
    %get3A_533 = tpu.vector_load %arg9[%get3A_532] {strides = array<i32>} : memref<2048xf32, #tpu.memory_space<vmem>>, vector<16xf32>,
    %add3A_534 = arith.addf %add3A_531, %get3A_533 : vector<16xf32>
    %get3A_535 = arith.constant 640 : index
    %get3A_536 = tpu.vector_load %arg9[%get3A_535] {strides = array<i32>} : memref<2048xf32, #tpu.memory_space<vmem>>, vector<16xf32>,
    %add3A_537 = arith.addf %add3A_534, %get3A_536 : vector<16xf32>
    %get3A_538 = arith.constant 768 : index
    %get3A_539 = tpu.vector_load %arg9[%get3A_538] {strides = array<i32>} : memref<2048xf32, #tpu.memory_space<vmem>>, vector<16xf32>,
    %add3A_540 = arith.addf %add3A_537, %get3A_539 : vector<16xf32>
    %get3A_541 = arith.constant 896 : index
    %get3A_542 = tpu.vector_load %arg9[%get3A_541] {strides = array<i32>} : memref<2048xf32, #tpu.memory_space<vmem>>, vector<16xf32>,
    %add3A_543 = arith.addf %add3A_540, %get3A_542 : vector<16xf32>
    %get3A_544 = arith.constant 1024 : index
    %get3A_545 = tpu.vector_load %arg9[%get3A_544] {strides = array<i32>} : memref<2048xf32, #tpu.memory_space<vmem>>, vector<16xf32>,
    %add3A_546 = arith.addf %add3A_543, %get3A_545 : vector<16xf32>
    %get3A_547 = arith.constant 1152 : index
    %get3A_548 = tpu.vector_load %arg9[%get3A_547] {strides = array<i32>} : memref<2048xf32, #tpu.memory_space<vmem>>, vector<16xf32>,
    %add3A_549 = arith.addf %add3A_546, %get3A_548 : vector<16xf32>
    %get3A_550 = arith.constant 1280 : index
    %get3A_551 = tpu.vector_load %arg9[%get3A_550] {strides = array<i32>} : memref<2048xf32, #tpu.memory_space<vmem>>, vector<16xf32>,
    %add3A_552 = arith.addf %add3A_549, %get3A_551 : vector<16xf32>
    %get3A_553 = arith.constant 1408 : index
    %get3A_554 = tpu.vector_load %arg9[%get3A_553] {strides = array<i32>} : memref<2048xf32, #tpu.memory_space<vmem>>, vector<16xf32>,
    %add3A_555 = arith.addf %add3A_552, %get3A_554 : vector<16xf32>
    %get3A_556 = arith.constant 1536 : index
    %get3A_557 = tpu.vector_load %arg9[%get3A_556] {strides = array<i32>} : memref<2048xf32, #tpu.memory_space<vmem>>, vector<16xf32>,
    %add3A_558 = arith.addf %add3A_555, %get3A_557 : vector<16xf32>
    %get3A_559 = arith.constant 1664 : index
    %get3A_560 = tpu.vector_load %arg9[%get3A_559] {strides = array<i32>} : memref<2048xf32, #tpu.memory_space<vmem>>, vector<16xf32>,
    %add3A_561 = arith.addf %add3A_558, %get3A_560 : vector<16xf32>
    %get3A_562 = arith.constant 1792 : index
    %get3A_563 = tpu.vector_load %arg9[%get3A_562] {strides = array<i32>} : memref<2048xf32, #tpu.memory_space<vmem>>, vector<16xf32>,
    %add3A_564 = arith.addf %add3A_561, %get3A_563 : vector<16xf32>
    %get3A_565 = arith.constant 1920 : index
    %get3A_566 = tpu.vector_load %arg9[%get3A_565] {strides = array<i32>} : memref<2048xf32, #tpu.memory_space<vmem>>, vector<16xf32>,
    %add3A_567 = arith.addf %add3A_564, %get3A_566 : vector<16xf32>
    %swap3A_568 = arith.constant 0 : index
    %swap3A_569 = tpu.vector_load %arg10[%swap3A_568] {strides = array<i32>} : memref<160xf32, #tpu.memory_space<vmem>>, vector<16xf32>,
    tpu.vector_store %arg10[%swap3A_568], %add3A_567 {strides = array<i32>} : memref<160xf32, #tpu.memory_space<vmem>>, vector<16xf32>,
    %get3A_570 = arith.constant 16 : index
    %get3A_571 = tpu.vector_load %arg9[%get3A_570] {strides = array<i32>} : memref<2048xf32, #tpu.memory_space<vmem>>, vector<16xf32>,
    %get3A_572 = arith.constant 144 : index
    %get3A_573 = tpu.vector_load %arg9[%get3A_572] {strides = array<i32>} : memref<2048xf32, #tpu.memory_space<vmem>>, vector<16xf32>,
    %add3A_574 = arith.addf %get3A_571, %get3A_573 : vector<16xf32>
    %get3A_575 = arith.constant 272 : index
    %get3A_576 = tpu.vector_load %arg9[%get3A_575] {strides = array<i32>} : memref<2048xf32, #tpu.memory_space<vmem>>, vector<16xf32>,
    %add3A_577 = arith.addf %add3A_574, %get3A_576 : vector<16xf32>
    %get3A_578 = arith.constant 400 : index
    %get3A_579 = tpu.vector_load %arg9[%get3A_578] {strides = array<i32>} : memref<2048xf32, #tpu.memory_space<vmem>>, vector<16xf32>,
    %add3A_580 = arith.addf %add3A_577, %get3A_579 : vector<16xf32>
    %get3A_581 = arith.constant 528 : index
    %get3A_582 = tpu.vector_load %arg9[%get3A_581] {strides = array<i32>} : memref<2048xf32, #tpu.memory_space<vmem>>, vector<16xf32>,
    %add3A_583 = arith.addf %add3A_580, %get3A_582 : vector<16xf32>
    %get3A_584 = arith.constant 656 : index
    %get3A_585 = tpu.vector_load %arg9[%get3A_584] {strides = array<i32>} : memref<2048xf32, #tpu.memory_space<vmem>>, vector<16xf32>,
    %add3A_586 = arith.addf %add3A_583, %get3A_585 : vector<16xf32>
    %get3A_587 = arith.constant 784 : index
    %get3A_588 = tpu.vector_load %arg9[%get3A_587] {strides = array<i32>} : memref<2048xf32, #tpu.memory_space<vmem>>, vector<16xf32>,
    %add3A_589 = arith.addf %add3A_586, %get3A_588 : vector<16xf32>
    %get3A_590 = arith.constant 912 : index
    %get3A_591 = tpu.vector_load %arg9[%get3A_590] {strides = array<i32>} : memref<2048xf32, #tpu.memory_space<vmem>>, vector<16xf32>,
    %add3A_592 = arith.addf %add3A_589, %get3A_591 : vector<16xf32>
    %get3A_593 = arith.constant 1040 : index
    %get3A_594 = tpu.vector_load %arg9[%get3A_593] {strides = array<i32>} : memref<2048xf32, #tpu.memory_space<vmem>>, vector<16xf32>,
    %add3A_595 = arith.addf %add3A_592, %get3A_594 : vector<16xf32>
    %get3A_596 = arith.constant 1168 : index
    %get3A_597 = tpu.vector_load %arg9[%get3A_596] {strides = array<i32>} : memref<2048xf32, #tpu.memory_space<vmem>>, vector<16xf32>,
    %add3A_598 = arith.addf %add3A_595, %get3A_597 : vector<16xf32>
    %get3A_599 = arith.constant 1296 : index
    %get3A_600 = tpu.vector_load %arg9[%get3A_599] {strides = array<i32>} : memref<2048xf32, #tpu.memory_space<vmem>>, vector<16xf32>,
    %add3A_601 = arith.addf %add3A_598, %get3A_600 : vector<16xf32>
    %get3A_602 = arith.constant 1424 : index
    %get3A_603 = tpu.vector_load %arg9[%get3A_602] {strides = array<i32>} : memref<2048xf32, #tpu.memory_space<vmem>>, vector<16xf32>,
    %add3A_604 = arith.addf %add3A_601, %get3A_603 : vector<16xf32>
    %get3A_605 = arith.constant 1552 : index
    %get3A_606 = tpu.vector_load %arg9[%get3A_605] {strides = array<i32>} : memref<2048xf32, #tpu.memory_space<vmem>>, vector<16xf32>,
    %add3A_607 = arith.addf %add3A_604, %get3A_606 : vector<16xf32>
    %get3A_608 = arith.constant 1680 : index
    %get3A_609 = tpu.vector_load %arg9[%get3A_608] {strides = array<i32>} : memref<2048xf32, #tpu.memory_space<vmem>>, vector<16xf32>,
    %add3A_610 = arith.addf %add3A_607, %get3A_609 : vector<16xf32>
    %get3A_611 = arith.constant 1808 : index
    %get3A_612 = tpu.vector_load %arg9[%get3A_611] {strides = array<i32>} : memref<2048xf32, #tpu.memory_space<vmem>>, vector<16xf32>,
    %add3A_613 = arith.addf %add3A_610, %get3A_612 : vector<16xf32>
    %get3A_614 = arith.constant 1936 : index
    %get3A_615 = tpu.vector_load %arg9[%get3A_614] {strides = array<i32>} : memref<2048xf32, #tpu.memory_space<vmem>>, vector<16xf32>,
    %add3A_616 = arith.addf %add3A_613, %get3A_615 : vector<16xf32>
    %swap3A_617 = arith.constant 16 : index
    %swap3A_618 = tpu.vector_load %arg10[%swap3A_617] {strides = array<i32>} : memref<160xf32, #tpu.memory_space<vmem>>, vector<16xf32>,
    tpu.vector_store %arg10[%swap3A_617], %add3A_616 {strides = array<i32>} : memref<160xf32, #tpu.memory_space<vmem>>, vector<16xf32>,
    %get3A_619 = arith.constant 32 : index
    %get3A_620 = tpu.vector_load %arg9[%get3A_619] {strides = array<i32>} : memref<2048xf32, #tpu.memory_space<vmem>>, vector<16xf32>,
    %get3A_621 = arith.constant 160 : index
    %get3A_622 = tpu.vector_load %arg9[%get3A_621] {strides = array<i32>} : memref<2048xf32, #tpu.memory_space<vmem>>, vector<16xf32>,
    %add3A_623 = arith.addf %get3A_620, %get3A_622 : vector<16xf32>
    %get3A_624 = arith.constant 288 : index
    %get3A_625 = tpu.vector_load %arg9[%get3A_624] {strides = array<i32>} : memref<2048xf32, #tpu.memory_space<vmem>>, vector<16xf32>,
    %add3A_626 = arith.addf %add3A_623, %get3A_625 : vector<16xf32>
    %get3A_627 = arith.constant 416 : index
    %get3A_628 = tpu.vector_load %arg9[%get3A_627] {strides = array<i32>} : memref<2048xf32, #tpu.memory_space<vmem>>, vector<16xf32>,
    %add3A_629 = arith.addf %add3A_626, %get3A_628 : vector<16xf32>
    %get3A_630 = arith.constant 544 : index
    %get3A_631 = tpu.vector_load %arg9[%get3A_630] {strides = array<i32>} : memref<2048xf32, #tpu.memory_space<vmem>>, vector<16xf32>,
    %add3A_632 = arith.addf %add3A_629, %get3A_631 : vector<16xf32>
    %get3A_633 = arith.constant 672 : index
    %get3A_634 = tpu.vector_load %arg9[%get3A_633] {strides = array<i32>} : memref<2048xf32, #tpu.memory_space<vmem>>, vector<16xf32>,
    %add3A_635 = arith.addf %add3A_632, %get3A_634 : vector<16xf32>
    %get3A_636 = arith.constant 800 : index
    %get3A_637 = tpu.vector_load %arg9[%get3A_636] {strides = array<i32>} : memref<2048xf32, #tpu.memory_space<vmem>>, vector<16xf32>,
    %add3A_638 = arith.addf %add3A_635, %get3A_637 : vector<16xf32>
    %get3A_639 = arith.constant 928 : index
    %get3A_640 = tpu.vector_load %arg9[%get3A_639] {strides = array<i32>} : memref<2048xf32, #tpu.memory_space<vmem>>, vector<16xf32>,
    %add3A_641 = arith.addf %add3A_638, %get3A_640 : vector<16xf32>
    %get3A_642 = arith.constant 1056 : index
    %get3A_643 = tpu.vector_load %arg9[%get3A_642] {strides = array<i32>} : memref<2048xf32, #tpu.memory_space<vmem>>, vector<16xf32>,
    %add3A_644 = arith.addf %add3A_641, %get3A_643 : vector<16xf32>
    %get3A_645 = arith.constant 1184 : index
    %get3A_646 = tpu.vector_load %arg9[%get3A_645] {strides = array<i32>} : memref<2048xf32, #tpu.memory_space<vmem>>, vector<16xf32>,
    %add3A_647 = arith.addf %add3A_644, %get3A_646 : vector<16xf32>
    %get3A_648 = arith.constant 1312 : index
    %get3A_649 = tpu.vector_load %arg9[%get3A_648] {strides = array<i32>} : memref<2048xf32, #tpu.memory_space<vmem>>, vector<16xf32>,
    %add3A_650 = arith.addf %add3A_647, %get3A_649 : vector<16xf32>
    %get3A_651 = arith.constant 1440 : index
    %get3A_652 = tpu.vector_load %arg9[%get3A_651] {strides = array<i32>} : memref<2048xf32, #tpu.memory_space<vmem>>, vector<16xf32>,
    %add3A_653 = arith.addf %add3A_650, %get3A_652 : vector<16xf32>
    %get3A_654 = arith.constant 1568 : index
    %get3A_655 = tpu.vector_load %arg9[%get3A_654] {strides = array<i32>} : memref<2048xf32, #tpu.memory_space<vmem>>, vector<16xf32>,
    %add3A_656 = arith.addf %add3A_653, %get3A_655 : vector<16xf32>
    %get3A_657 = arith.constant 1696 : index
    %get3A_658 = tpu.vector_load %arg9[%get3A_657] {strides = array<i32>} : memref<2048xf32, #tpu.memory_space<vmem>>, vector<16xf32>,
    %add3A_659 = arith.addf %add3A_656, %get3A_658 : vector<16xf32>
    %get3A_660 = arith.constant 1824 : index
    %get3A_661 = tpu.vector_load %arg9[%get3A_660] {strides = array<i32>} : memref<2048xf32, #tpu.memory_space<vmem>>, vector<16xf32>,
    %add3A_662 = arith.addf %add3A_659, %get3A_661 : vector<16xf32>
    %get3A_663 = arith.constant 1952 : index
    %get3A_664 = tpu.vector_load %arg9[%get3A_663] {strides = array<i32>} : memref<2048xf32, #tpu.memory_space<vmem>>, vector<16xf32>,
    %add3A_665 = arith.addf %add3A_662, %get3A_664 : vector<16xf32>
    %swap3A_666 = arith.constant 32 : index
    %swap3A_667 = tpu.vector_load %arg10[%swap3A_666] {strides = array<i32>} : memref<160xf32, #tpu.memory_space<vmem>>, vector<16xf32>,
    tpu.vector_store %arg10[%swap3A_666], %add3A_665 {strides = array<i32>} : memref<160xf32, #tpu.memory_space<vmem>>, vector<16xf32>,
    %get3A_668 = arith.constant 48 : index
    %get3A_669 = tpu.vector_load %arg9[%get3A_668] {strides = array<i32>} : memref<2048xf32, #tpu.memory_space<vmem>>, vector<16xf32>,
    %get3A_670 = arith.constant 176 : index
    %get3A_671 = tpu.vector_load %arg9[%get3A_670] {strides = array<i32>} : memref<2048xf32, #tpu.memory_space<vmem>>, vector<16xf32>,
    %add3A_672 = arith.addf %get3A_669, %get3A_671 : vector<16xf32>
    %get3A_673 = arith.constant 304 : index
    %get3A_674 = tpu.vector_load %arg9[%get3A_673] {strides = array<i32>} : memref<2048xf32, #tpu.memory_space<vmem>>, vector<16xf32>,
    %add3A_675 = arith.addf %add3A_672, %get3A_674 : vector<16xf32>
    %get3A_676 = arith.constant 432 : index
    %get3A_677 = tpu.vector_load %arg9[%get3A_676] {strides = array<i32>} : memref<2048xf32, #tpu.memory_space<vmem>>, vector<16xf32>,
    %add3A_678 = arith.addf %add3A_675, %get3A_677 : vector<16xf32>
    %get3A_679 = arith.constant 560 : index
    %get3A_680 = tpu.vector_load %arg9[%get3A_679] {strides = array<i32>} : memref<2048xf32, #tpu.memory_space<vmem>>, vector<16xf32>,
    %add3A_681 = arith.addf %add3A_678, %get3A_680 : vector<16xf32>
    %get3A_682 = arith.constant 688 : index
    %get3A_683 = tpu.vector_load %arg9[%get3A_682] {strides = array<i32>} : memref<2048xf32, #tpu.memory_space<vmem>>, vector<16xf32>,
    %add3A_684 = arith.addf %add3A_681, %get3A_683 : vector<16xf32>
    %get3A_685 = arith.constant 816 : index
    %get3A_686 = tpu.vector_load %arg9[%get3A_685] {strides = array<i32>} : memref<2048xf32, #tpu.memory_space<vmem>>, vector<16xf32>,
    %add3A_687 = arith.addf %add3A_684, %get3A_686 : vector<16xf32>
    %get3A_688 = arith.constant 944 : index
    %get3A_689 = tpu.vector_load %arg9[%get3A_688] {strides = array<i32>} : memref<2048xf32, #tpu.memory_space<vmem>>, vector<16xf32>,
    %add3A_690 = arith.addf %add3A_687, %get3A_689 : vector<16xf32>
    %get3A_691 = arith.constant 1072 : index
    %get3A_692 = tpu.vector_load %arg9[%get3A_691] {strides = array<i32>} : memref<2048xf32, #tpu.memory_space<vmem>>, vector<16xf32>,
    %add3A_693 = arith.addf %add3A_690, %get3A_692 : vector<16xf32>
    %get3A_694 = arith.constant 1200 : index
    %get3A_695 = tpu.vector_load %arg9[%get3A_694] {strides = array<i32>} : memref<2048xf32, #tpu.memory_space<vmem>>, vector<16xf32>,
    %add3A_696 = arith.addf %add3A_693, %get3A_695 : vector<16xf32>
    %get3A_697 = arith.constant 1328 : index
    %get3A_698 = tpu.vector_load %arg9[%get3A_697] {strides = array<i32>} : memref<2048xf32, #tpu.memory_space<vmem>>, vector<16xf32>,
    %add3A_699 = arith.addf %add3A_696, %get3A_698 : vector<16xf32>
    %get3A_700 = arith.constant 1456 : index
    %get3A_701 = tpu.vector_load %arg9[%get3A_700] {strides = array<i32>} : memref<2048xf32, #tpu.memory_space<vmem>>, vector<16xf32>,
    %add3A_702 = arith.addf %add3A_699, %get3A_701 : vector<16xf32>
    %get3A_703 = arith.constant 1584 : index
    %get3A_704 = tpu.vector_load %arg9[%get3A_703] {strides = array<i32>} : memref<2048xf32, #tpu.memory_space<vmem>>, vector<16xf32>,
    %add3A_705 = arith.addf %add3A_702, %get3A_704 : vector<16xf32>
    %get3A_706 = arith.constant 1712 : index
    %get3A_707 = tpu.vector_load %arg9[%get3A_706] {strides = array<i32>} : memref<2048xf32, #tpu.memory_space<vmem>>, vector<16xf32>,
    %add3A_708 = arith.addf %add3A_705, %get3A_707 : vector<16xf32>
    %get3A_709 = arith.constant 1840 : index
    %get3A_710 = tpu.vector_load %arg9[%get3A_709] {strides = array<i32>} : memref<2048xf32, #tpu.memory_space<vmem>>, vector<16xf32>,
    %add3A_711 = arith.addf %add3A_708, %get3A_710 : vector<16xf32>
    %get3A_712 = arith.constant 1968 : index
    %get3A_713 = tpu.vector_load %arg9[%get3A_712] {strides = array<i32>} : memref<2048xf32, #tpu.memory_space<vmem>>, vector<16xf32>,
    %add3A_714 = arith.addf %add3A_711, %get3A_713 : vector<16xf32>
    %swap3A_715 = arith.constant 48 : index
    %swap3A_716 = tpu.vector_load %arg10[%swap3A_715] {strides = array<i32>} : memref<160xf32, #tpu.memory_space<vmem>>, vector<16xf32>,
    tpu.vector_store %arg10[%swap3A_715], %add3A_714 {strides = array<i32>} : memref<160xf32, #tpu.memory_space<vmem>>, vector<16xf32>,
    %swap3A_717 = arith.constant 64 : index
    %swap3A_718 = tpu.vector_load %arg10[%swap3A_717] {strides = array<i32>} : memref<160xf32, #tpu.memory_space<vmem>>, vector<16xf32>,
    tpu.vector_store %arg10[%swap3A_717], %scan3A_520#0 {strides = array<i32>} : memref<160xf32, #tpu.memory_space<vmem>>, vector<16xf32>,
    %get3A_719 = arith.constant 64 : index
    %get3A_720 = tpu.vector_load %arg9[%get3A_719] {strides = array<i32>} : memref<2048xf32, #tpu.memory_space<vmem>>, vector<16xf32>,
    %get3A_721 = arith.constant 192 : index
    %get3A_722 = tpu.vector_load %arg9[%get3A_721] {strides = array<i32>} : memref<2048xf32, #tpu.memory_space<vmem>>, vector<16xf32>,
    %add3A_723 = arith.addf %get3A_720, %get3A_722 : vector<16xf32>
    %get3A_724 = arith.constant 320 : index
    %get3A_725 = tpu.vector_load %arg9[%get3A_724] {strides = array<i32>} : memref<2048xf32, #tpu.memory_space<vmem>>, vector<16xf32>,
    %add3A_726 = arith.addf %add3A_723, %get3A_725 : vector<16xf32>
    %get3A_727 = arith.constant 448 : index
    %get3A_728 = tpu.vector_load %arg9[%get3A_727] {strides = array<i32>} : memref<2048xf32, #tpu.memory_space<vmem>>, vector<16xf32>,
    %add3A_729 = arith.addf %add3A_726, %get3A_728 : vector<16xf32>
    %get3A_730 = arith.constant 576 : index
    %get3A_731 = tpu.vector_load %arg9[%get3A_730] {strides = array<i32>} : memref<2048xf32, #tpu.memory_space<vmem>>, vector<16xf32>,
    %add3A_732 = arith.addf %add3A_729, %get3A_731 : vector<16xf32>
    %get3A_733 = arith.constant 704 : index
    %get3A_734 = tpu.vector_load %arg9[%get3A_733] {strides = array<i32>} : memref<2048xf32, #tpu.memory_space<vmem>>, vector<16xf32>,
    %add3A_735 = arith.addf %add3A_732, %get3A_734 : vector<16xf32>
    %get3A_736 = arith.constant 832 : index
    %get3A_737 = tpu.vector_load %arg9[%get3A_736] {strides = array<i32>} : memref<2048xf32, #tpu.memory_space<vmem>>, vector<16xf32>,
    %add3A_738 = arith.addf %add3A_735, %get3A_737 : vector<16xf32>
    %get3A_739 = arith.constant 960 : index
    %get3A_740 = tpu.vector_load %arg9[%get3A_739] {strides = array<i32>} : memref<2048xf32, #tpu.memory_space<vmem>>, vector<16xf32>,
    %add3A_741 = arith.addf %add3A_738, %get3A_740 : vector<16xf32>
    %get3A_742 = arith.constant 1088 : index
    %get3A_743 = tpu.vector_load %arg9[%get3A_742] {strides = array<i32>} : memref<2048xf32, #tpu.memory_space<vmem>>, vector<16xf32>,
    %add3A_744 = arith.addf %add3A_741, %get3A_743 : vector<16xf32>
    %get3A_745 = arith.constant 1216 : index
    %get3A_746 = tpu.vector_load %arg9[%get3A_745] {strides = array<i32>} : memref<2048xf32, #tpu.memory_space<vmem>>, vector<16xf32>,
    %add3A_747 = arith.addf %add3A_744, %get3A_746 : vector<16xf32>
    %get3A_748 = arith.constant 1344 : index
    %get3A_749 = tpu.vector_load %arg9[%get3A_748] {strides = array<i32>} : memref<2048xf32, #tpu.memory_space<vmem>>, vector<16xf32>,
    %add3A_750 = arith.addf %add3A_747, %get3A_749 : vector<16xf32>
    %get3A_751 = arith.constant 1472 : index
    %get3A_752 = tpu.vector_load %arg9[%get3A_751] {strides = array<i32>} : memref<2048xf32, #tpu.memory_space<vmem>>, vector<16xf32>,
    %add3A_753 = arith.addf %add3A_750, %get3A_752 : vector<16xf32>
    %get3A_754 = arith.constant 1600 : index
    %get3A_755 = tpu.vector_load %arg9[%get3A_754] {strides = array<i32>} : memref<2048xf32, #tpu.memory_space<vmem>>, vector<16xf32>,
    %add3A_756 = arith.addf %add3A_753, %get3A_755 : vector<16xf32>
    %get3A_757 = arith.constant 1728 : index
    %get3A_758 = tpu.vector_load %arg9[%get3A_757] {strides = array<i32>} : memref<2048xf32, #tpu.memory_space<vmem>>, vector<16xf32>,
    %add3A_759 = arith.addf %add3A_756, %get3A_758 : vector<16xf32>
    %get3A_760 = arith.constant 1856 : index
    %get3A_761 = tpu.vector_load %arg9[%get3A_760] {strides = array<i32>} : memref<2048xf32, #tpu.memory_space<vmem>>, vector<16xf32>,
    %add3A_762 = arith.addf %add3A_759, %get3A_761 : vector<16xf32>
    %get3A_763 = arith.constant 1984 : index
    %get3A_764 = tpu.vector_load %arg9[%get3A_763] {strides = array<i32>} : memref<2048xf32, #tpu.memory_space<vmem>>, vector<16xf32>,
    %add3A_765 = arith.addf %add3A_762, %get3A_764 : vector<16xf32>
    %swap3A_766 = arith.constant 80 : index
    %swap3A_767 = tpu.vector_load %arg10[%swap3A_766] {strides = array<i32>} : memref<160xf32, #tpu.memory_space<vmem>>, vector<16xf32>,
    tpu.vector_store %arg10[%swap3A_766], %add3A_765 {strides = array<i32>} : memref<160xf32, #tpu.memory_space<vmem>>, vector<16xf32>,
    %get3A_768 = arith.constant 80 : index
    %get3A_769 = tpu.vector_load %arg9[%get3A_768] {strides = array<i32>} : memref<2048xf32, #tpu.memory_space<vmem>>, vector<16xf32>,
    %get3A_770 = arith.constant 208 : index
    %get3A_771 = tpu.vector_load %arg9[%get3A_770] {strides = array<i32>} : memref<2048xf32, #tpu.memory_space<vmem>>, vector<16xf32>,
    %add3A_772 = arith.addf %get3A_769, %get3A_771 : vector<16xf32>
    %get3A_773 = arith.constant 336 : index
    %get3A_774 = tpu.vector_load %arg9[%get3A_773] {strides = array<i32>} : memref<2048xf32, #tpu.memory_space<vmem>>, vector<16xf32>,
    %add3A_775 = arith.addf %add3A_772, %get3A_774 : vector<16xf32>
    %get3A_776 = arith.constant 464 : index
    %get3A_777 = tpu.vector_load %arg9[%get3A_776] {strides = array<i32>} : memref<2048xf32, #tpu.memory_space<vmem>>, vector<16xf32>,
    %add3A_778 = arith.addf %add3A_775, %get3A_777 : vector<16xf32>
    %get3A_779 = arith.constant 592 : index
    %get3A_780 = tpu.vector_load %arg9[%get3A_779] {strides = array<i32>} : memref<2048xf32, #tpu.memory_space<vmem>>, vector<16xf32>,
    %add3A_781 = arith.addf %add3A_778, %get3A_780 : vector<16xf32>
    %get3A_782 = arith.constant 720 : index
    %get3A_783 = tpu.vector_load %arg9[%get3A_782] {strides = array<i32>} : memref<2048xf32, #tpu.memory_space<vmem>>, vector<16xf32>,
    %add3A_784 = arith.addf %add3A_781, %get3A_783 : vector<16xf32>
    %get3A_785 = arith.constant 848 : index
    %get3A_786 = tpu.vector_load %arg9[%get3A_785] {strides = array<i32>} : memref<2048xf32, #tpu.memory_space<vmem>>, vector<16xf32>,
    %add3A_787 = arith.addf %add3A_784, %get3A_786 : vector<16xf32>
    %get3A_788 = arith.constant 976 : index
    %get3A_789 = tpu.vector_load %arg9[%get3A_788] {strides = array<i32>} : memref<2048xf32, #tpu.memory_space<vmem>>, vector<16xf32>,
    %add3A_790 = arith.addf %add3A_787, %get3A_789 : vector<16xf32>
    %get3A_791 = arith.constant 1104 : index
    %get3A_792 = tpu.vector_load %arg9[%get3A_791] {strides = array<i32>} : memref<2048xf32, #tpu.memory_space<vmem>>, vector<16xf32>,
    %add3A_793 = arith.addf %add3A_790, %get3A_792 : vector<16xf32>
    %get3A_794 = arith.constant 1232 : index
    %get3A_795 = tpu.vector_load %arg9[%get3A_794] {strides = array<i32>} : memref<2048xf32, #tpu.memory_space<vmem>>, vector<16xf32>,
    %add3A_796 = arith.addf %add3A_793, %get3A_795 : vector<16xf32>
    %get3A_797 = arith.constant 1360 : index
    %get3A_798 = tpu.vector_load %arg9[%get3A_797] {strides = array<i32>} : memref<2048xf32, #tpu.memory_space<vmem>>, vector<16xf32>,
    %add3A_799 = arith.addf %add3A_796, %get3A_798 : vector<16xf32>
    %get3A_800 = arith.constant 1488 : index
    %get3A_801 = tpu.vector_load %arg9[%get3A_800] {strides = array<i32>} : memref<2048xf32, #tpu.memory_space<vmem>>, vector<16xf32>,
    %add3A_802 = arith.addf %add3A_799, %get3A_801 : vector<16xf32>
    %get3A_803 = arith.constant 1616 : index
    %get3A_804 = tpu.vector_load %arg9[%get3A_803] {strides = array<i32>} : memref<2048xf32, #tpu.memory_space<vmem>>, vector<16xf32>,
    %add3A_805 = arith.addf %add3A_802, %get3A_804 : vector<16xf32>
    %get3A_806 = arith.constant 1744 : index
    %get3A_807 = tpu.vector_load %arg9[%get3A_806] {strides = array<i32>} : memref<2048xf32, #tpu.memory_space<vmem>>, vector<16xf32>,
    %add3A_808 = arith.addf %add3A_805, %get3A_807 : vector<16xf32>
    %get3A_809 = arith.constant 1872 : index
    %get3A_810 = tpu.vector_load %arg9[%get3A_809] {strides = array<i32>} : memref<2048xf32, #tpu.memory_space<vmem>>, vector<16xf32>,
    %add3A_811 = arith.addf %add3A_808, %get3A_810 : vector<16xf32>
    %get3A_812 = arith.constant 2000 : index
    %get3A_813 = tpu.vector_load %arg9[%get3A_812] {strides = array<i32>} : memref<2048xf32, #tpu.memory_space<vmem>>, vector<16xf32>,
    %add3A_814 = arith.addf %add3A_811, %get3A_813 : vector<16xf32>
    %swap3A_815 = arith.constant 96 : index
    %swap3A_816 = tpu.vector_load %arg10[%swap3A_815] {strides = array<i32>} : memref<160xf32, #tpu.memory_space<vmem>>, vector<16xf32>,
    tpu.vector_store %arg10[%swap3A_815], %add3A_814 {strides = array<i32>} : memref<160xf32, #tpu.memory_space<vmem>>, vector<16xf32>,
    %get3A_817 = arith.constant 96 : index
    %get3A_818 = tpu.vector_load %arg9[%get3A_817] {strides = array<i32>} : memref<2048xf32, #tpu.memory_space<vmem>>, vector<16xf32>,
    %get3A_819 = arith.constant 224 : index
    %get3A_820 = tpu.vector_load %arg9[%get3A_819] {strides = array<i32>} : memref<2048xf32, #tpu.memory_space<vmem>>, vector<16xf32>,
    %add3A_821 = arith.addf %get3A_818, %get3A_820 : vector<16xf32>
    %get3A_822 = arith.constant 352 : index
    %get3A_823 = tpu.vector_load %arg9[%get3A_822] {strides = array<i32>} : memref<2048xf32, #tpu.memory_space<vmem>>, vector<16xf32>,
    %add3A_824 = arith.addf %add3A_821, %get3A_823 : vector<16xf32>
    %get3A_825 = arith.constant 480 : index
    %get3A_826 = tpu.vector_load %arg9[%get3A_825] {strides = array<i32>} : memref<2048xf32, #tpu.memory_space<vmem>>, vector<16xf32>,
    %add3A_827 = arith.addf %add3A_824, %get3A_826 : vector<16xf32>
    %get3A_828 = arith.constant 608 : index
    %get3A_829 = tpu.vector_load %arg9[%get3A_828] {strides = array<i32>} : memref<2048xf32, #tpu.memory_space<vmem>>, vector<16xf32>,
    %add3A_830 = arith.addf %add3A_827, %get3A_829 : vector<16xf32>
    %get3A_831 = arith.constant 736 : index
    %get3A_832 = tpu.vector_load %arg9[%get3A_831] {strides = array<i32>} : memref<2048xf32, #tpu.memory_space<vmem>>, vector<16xf32>,
    %add3A_833 = arith.addf %add3A_830, %get3A_832 : vector<16xf32>
    %get3A_834 = arith.constant 864 : index
    %get3A_835 = tpu.vector_load %arg9[%get3A_834] {strides = array<i32>} : memref<2048xf32, #tpu.memory_space<vmem>>, vector<16xf32>,
    %add3A_836 = arith.addf %add3A_833, %get3A_835 : vector<16xf32>
    %get3A_837 = arith.constant 992 : index
    %get3A_838 = tpu.vector_load %arg9[%get3A_837] {strides = array<i32>} : memref<2048xf32, #tpu.memory_space<vmem>>, vector<16xf32>,
    %add3A_839 = arith.addf %add3A_836, %get3A_838 : vector<16xf32>
    %get3A_840 = arith.constant 1120 : index
    %get3A_841 = tpu.vector_load %arg9[%get3A_840] {strides = array<i32>} : memref<2048xf32, #tpu.memory_space<vmem>>, vector<16xf32>,
    %add3A_842 = arith.addf %add3A_839, %get3A_841 : vector<16xf32>
    %get3A_843 = arith.constant 1248 : index
    %get3A_844 = tpu.vector_load %arg9[%get3A_843] {strides = array<i32>} : memref<2048xf32, #tpu.memory_space<vmem>>, vector<16xf32>,
    %add3A_845 = arith.addf %add3A_842, %get3A_844 : vector<16xf32>
    %get3A_846 = arith.constant 1376 : index
    %get3A_847 = tpu.vector_load %arg9[%get3A_846] {strides = array<i32>} : memref<2048xf32, #tpu.memory_space<vmem>>, vector<16xf32>,
    %add3A_848 = arith.addf %add3A_845, %get3A_847 : vector<16xf32>
    %get3A_849 = arith.constant 1504 : index
    %get3A_850 = tpu.vector_load %arg9[%get3A_849] {strides = array<i32>} : memref<2048xf32, #tpu.memory_space<vmem>>, vector<16xf32>,
    %add3A_851 = arith.addf %add3A_848, %get3A_850 : vector<16xf32>
    %get3A_852 = arith.constant 1632 : index
    %get3A_853 = tpu.vector_load %arg9[%get3A_852] {strides = array<i32>} : memref<2048xf32, #tpu.memory_space<vmem>>, vector<16xf32>,
    %add3A_854 = arith.addf %add3A_851, %get3A_853 : vector<16xf32>
    %get3A_855 = arith.constant 1760 : index
    %get3A_856 = tpu.vector_load %arg9[%get3A_855] {strides = array<i32>} : memref<2048xf32, #tpu.memory_space<vmem>>, vector<16xf32>,
    %add3A_857 = arith.addf %add3A_854, %get3A_856 : vector<16xf32>
    %get3A_858 = arith.constant 1888 : index
    %get3A_859 = tpu.vector_load %arg9[%get3A_858] {strides = array<i32>} : memref<2048xf32, #tpu.memory_space<vmem>>, vector<16xf32>,
    %add3A_860 = arith.addf %add3A_857, %get3A_859 : vector<16xf32>
    %get3A_861 = arith.constant 2016 : index
    %get3A_862 = tpu.vector_load %arg9[%get3A_861] {strides = array<i32>} : memref<2048xf32, #tpu.memory_space<vmem>>, vector<16xf32>,
    %add3A_863 = arith.addf %add3A_860, %get3A_862 : vector<16xf32>
    %swap3A_864 = arith.constant 112 : index
    %swap3A_865 = tpu.vector_load %arg10[%swap3A_864] {strides = array<i32>} : memref<160xf32, #tpu.memory_space<vmem>>, vector<16xf32>,
    tpu.vector_store %arg10[%swap3A_864], %add3A_863 {strides = array<i32>} : memref<160xf32, #tpu.memory_space<vmem>>, vector<16xf32>,
    %get3A_866 = arith.constant 112 : index
    %get3A_867 = tpu.vector_load %arg9[%get3A_866] {strides = array<i32>} : memref<2048xf32, #tpu.memory_space<vmem>>, vector<16xf32>,
    %get3A_868 = arith.constant 240 : index
    %get3A_869 = tpu.vector_load %arg9[%get3A_868] {strides = array<i32>} : memref<2048xf32, #tpu.memory_space<vmem>>, vector<16xf32>,
    %add3A_870 = arith.addf %get3A_867, %get3A_869 : vector<16xf32>
    %get3A_871 = arith.constant 368 : index
    %get3A_872 = tpu.vector_load %arg9[%get3A_871] {strides = array<i32>} : memref<2048xf32, #tpu.memory_space<vmem>>, vector<16xf32>,
    %add3A_873 = arith.addf %add3A_870, %get3A_872 : vector<16xf32>
    %get3A_874 = arith.constant 496 : index
    %get3A_875 = tpu.vector_load %arg9[%get3A_874] {strides = array<i32>} : memref<2048xf32, #tpu.memory_space<vmem>>, vector<16xf32>,
    %add3A_876 = arith.addf %add3A_873, %get3A_875 : vector<16xf32>
    %get3A_877 = arith.constant 624 : index
    %get3A_878 = tpu.vector_load %arg9[%get3A_877] {strides = array<i32>} : memref<2048xf32, #tpu.memory_space<vmem>>, vector<16xf32>,
    %add3A_879 = arith.addf %add3A_876, %get3A_878 : vector<16xf32>
    %get3A_880 = arith.constant 752 : index
    %get3A_881 = tpu.vector_load %arg9[%get3A_880] {strides = array<i32>} : memref<2048xf32, #tpu.memory_space<vmem>>, vector<16xf32>,
    %add3A_882 = arith.addf %add3A_879, %get3A_881 : vector<16xf32>
    %get3A_883 = arith.constant 880 : index
    %get3A_884 = tpu.vector_load %arg9[%get3A_883] {strides = array<i32>} : memref<2048xf32, #tpu.memory_space<vmem>>, vector<16xf32>,
    %add3A_885 = arith.addf %add3A_882, %get3A_884 : vector<16xf32>
    %get3A_886 = arith.constant 1008 : index
    %get3A_887 = tpu.vector_load %arg9[%get3A_886] {strides = array<i32>} : memref<2048xf32, #tpu.memory_space<vmem>>, vector<16xf32>,
    %add3A_888 = arith.addf %add3A_885, %get3A_887 : vector<16xf32>
    %get3A_889 = arith.constant 1136 : index
    %get3A_890 = tpu.vector_load %arg9[%get3A_889] {strides = array<i32>} : memref<2048xf32, #tpu.memory_space<vmem>>, vector<16xf32>,
    %add3A_891 = arith.addf %add3A_888, %get3A_890 : vector<16xf32>
    %get3A_892 = arith.constant 1264 : index
    %get3A_893 = tpu.vector_load %arg9[%get3A_892] {strides = array<i32>} : memref<2048xf32, #tpu.memory_space<vmem>>, vector<16xf32>,
    %add3A_894 = arith.addf %add3A_891, %get3A_893 : vector<16xf32>
    %get3A_895 = arith.constant 1392 : index
    %get3A_896 = tpu.vector_load %arg9[%get3A_895] {strides = array<i32>} : memref<2048xf32, #tpu.memory_space<vmem>>, vector<16xf32>,
    %add3A_897 = arith.addf %add3A_894, %get3A_896 : vector<16xf32>
    %get3A_898 = arith.constant 1520 : index
    %get3A_899 = tpu.vector_load %arg9[%get3A_898] {strides = array<i32>} : memref<2048xf32, #tpu.memory_space<vmem>>, vector<16xf32>,
    %add3A_900 = arith.addf %add3A_897, %get3A_899 : vector<16xf32>
    %get3A_901 = arith.constant 1648 : index
    %get3A_902 = tpu.vector_load %arg9[%get3A_901] {strides = array<i32>} : memref<2048xf32, #tpu.memory_space<vmem>>, vector<16xf32>,
    %add3A_903 = arith.addf %add3A_900, %get3A_902 : vector<16xf32>
    %get3A_904 = arith.constant 1776 : index
    %get3A_905 = tpu.vector_load %arg9[%get3A_904] {strides = array<i32>} : memref<2048xf32, #tpu.memory_space<vmem>>, vector<16xf32>,
    %add3A_906 = arith.addf %add3A_903, %get3A_905 : vector<16xf32>
    %get3A_907 = arith.constant 1904 : index
    %get3A_908 = tpu.vector_load %arg9[%get3A_907] {strides = array<i32>} : memref<2048xf32, #tpu.memory_space<vmem>>, vector<16xf32>,
    %add3A_909 = arith.addf %add3A_906, %get3A_908 : vector<16xf32>
    %get3A_910 = arith.constant 2032 : index
    %get3A_911 = tpu.vector_load %arg9[%get3A_910] {strides = array<i32>} : memref<2048xf32, #tpu.memory_space<vmem>>, vector<16xf32>,
    %add3A_912 = arith.addf %add3A_909, %get3A_911 : vector<16xf32>
    %swap3A_913 = arith.constant 128 : index
    %swap3A_914 = tpu.vector_load %arg10[%swap3A_913] {strides = array<i32>} : memref<160xf32, #tpu.memory_space<vmem>>, vector<16xf32>,
    tpu.vector_store %arg10[%swap3A_913], %add3A_912 {strides = array<i32>} : memref<160xf32, #tpu.memory_space<vmem>>, vector<16xf32>,
    %swap3A_915 = arith.constant 144 : index
    %swap3A_916 = tpu.vector_load %arg10[%swap3A_915] {strides = array<i32>} : memref<160xf32, #tpu.memory_space<vmem>>, vector<16xf32>,
    tpu.vector_store %arg10[%swap3A_915], %scan3A_520#1 {strides = array<i32>} : memref<160xf32, #tpu.memory_space<vmem>>, vector<16xf32>,
    %mul3A_917 = arith.constant 160 : i32
    %mul3A_918 = arith.muli %add3A, %mul3A_917 : i32
    "tpu.region"() ({
      %run_scoped3A = tpu.sem_alloc : memref<!tpu.dma_semaphore, #tpu.memory_space<semaphore_mem>>
      %dma_start3A = tpu.memref_slice %arg5[%mul3A_918] : memref<2560xf32, #tpu.memory_space<hbm>> -> memref<160xf32, #tpu.memory_space<hbm>>
      %dma_start3A_919 = tpu.memref_slice %arg5[%mul3A_918] : memref<2560xf32, #tpu.memory_space<hbm>> -> memref<160xf32, #tpu.memory_space<hbm>>
      tpu.enqueue_dma source(%arg10 : memref<160xf32, #tpu.memory_space<vmem>>) target(%dma_start3A_919 : memref<160xf32, #tpu.memory_space<hbm>>) target_semaphore(%run_scoped3A : memref<!tpu.dma_semaphore, #tpu.memory_space<semaphore_mem>>)
      %dma_wait3A = tpu.memref_slice %arg5[%mul3A_918] : memref<2560xf32, #tpu.memory_space<hbm>> -> memref<160xf32, #tpu.memory_space<hbm>>
      %dma_wait3A_920 = tpu.memref_slice %arg5[%mul3A_918] : memref<2560xf32, #tpu.memory_space<hbm>> -> memref<160xf32, #tpu.memory_space<hbm>>
      tpu.wait_dma2 semaphore(%run_scoped3A : memref<!tpu.dma_semaphore, #tpu.memory_space<semaphore_mem>>) src(%arg10 : memref<160xf32, #tpu.memory_space<vmem>>) dst(%dma_wait3A_920 : memref<160xf32, #tpu.memory_space<hbm>>)
      tpu.yield
    }) : () -> ()
    return
  }
}

module attributes {stable_mosaic.version = 14 : i64} {
  func.func @_tc_body(%arg0: i32, %arg1: memref<8192x64xf32, #tpu.memory_space<vmem>>, %arg2: memref<32x80xf32, #tpu.memory_space<vmem>>, %arg3: memref<1x32xf32, #tpu.memory_space<vmem>>, %arg4: memref<1x32xf32, #tpu.memory_space<vmem>>, %arg5: memref<8192x32xf32, #tpu.memory_space<vmem>>) attributes {dimension_semantics = [#tpu.dimension_semantics<parallel>], iteration_bounds = array<i64: 2>, scalar_prefetch = 0 : i64, scratch_operands = 0 : i64, tpu.core_type = #tpu.core_type<tc>, window_params = [{transform_indices = @transform_0, window_bounds = array<i64: 8192, 64>}, {pipeline_mode = #tpu.pipeline_mode<synchronous>, transform_indices = @transform_1, window_bounds = array<i64: 32, 80>}, {pipeline_mode = #tpu.pipeline_mode<synchronous>, transform_indices = @transform_2, window_bounds = array<i64: 1, 32>}, {pipeline_mode = #tpu.pipeline_mode<synchronous>, transform_indices = @transform_3, window_bounds = array<i64: 1, 32>}, {transform_indices = @transform_4, window_bounds = array<i64: 8192, 32>}]} {
    %get3A = arith.constant 0 : index
    %get3A_0 = arith.constant 0 : index
    %get3A_1 = vector.load %arg2[%get3A, %get3A_0] : memref<32x80xf32, #tpu.memory_space<vmem>>, vector<32x80xf32>
    %slice3A = vector.extract_strided_slice %get3A_1 {offsets = [0, 0], sizes = [32, 64], strides = [1, 1]} : vector<32x80xf32> to vector<32x64xf32>
    %slice3A_2 = vector.extract_strided_slice %get3A_1 {offsets = [0, 64], sizes = [32, 16], strides = [1, 1]} : vector<32x80xf32> to vector<32x16xf32>
    %reduce_sum3A = arith.constant dense<0.000000e+00> : vector<32xf32>
    %reduce_sum3A_3 = vector.multi_reduction <add>, %slice3A_2, %reduce_sum3A [1] : vector<32x16xf32> to vector<32xf32>
    %broadcast_in_dim3A = vector.shape_cast %reduce_sum3A_3 : vector<32xf32> to vector<1x32xf32>
    %gt3A = arith.constant 0.000000e+00 : f32
    %gt3A_4 = vector.broadcast %gt3A : f32 to vector<1x32xf32>
    %gt3A_5 = arith.cmpf ogt, %broadcast_in_dim3A, %gt3A_4 : vector<1x32xf32>
    %convert_element_type3A = arith.extui %gt3A_5 : vector<1x32xi1> to vector<1x32xi32>
    %convert_element_type3A_6 = arith.sitofp %convert_element_type3A : vector<1x32xi32> to vector<1x32xf32>
    %get3A_7 = arith.constant 0 : index
    %get3A_8 = arith.constant 0 : index
    %get3A_9 = vector.load %arg3[%get3A_7, %get3A_8] : memref<1x32xf32, #tpu.memory_space<vmem>>, vector<1x32xf32>
    %get3A_10 = arith.constant 0 : index
    %get3A_11 = arith.constant 0 : index
    %get3A_12 = vector.load %arg4[%get3A_10, %get3A_11] : memref<1x32xf32, #tpu.memory_space<vmem>>, vector<1x32xf32>
    %get3A_13 = arith.constant 0 : index
    %get3A_14 = arith.constant 0 : index
    %get3A_15 = vector.load %arg1[%get3A_13, %get3A_14] : memref<8192x64xf32, #tpu.memory_space<vmem>>, vector<8192x64xf32>
    %transpose3A = tpu.transpose %slice3A, [1, 0] : vector<32x64xf32> -> vector<64x32xf32>
    %dot_general3A = arith.constant dense<0.000000e+00> : vector<8192x32xf32>
    %dot_general3A_16 = tpu.matmul %get3A_15, %transpose3A, %dot_general3A {dimension_numbers = #tpu.dot_dimension_numbers<[1], [0], [0], [1], [0, 0, 1, 1], [], []>, transpose_lhs_hint = false} : vector<8192x64xf32>, vector<64x32xf32>, vector<8192x32xf32> -> vector<8192x32xf32>
    %mul3A = vector.broadcast %get3A_12 : vector<1x32xf32> to vector<8192x32xf32>
    %mul3A_17 = arith.mulf %mul3A, %dot_general3A_16 : vector<8192x32xf32>
    %add3A = vector.broadcast %get3A_9 : vector<1x32xf32> to vector<8192x32xf32>
    %add3A_18 = arith.addf %add3A, %mul3A_17 : vector<8192x32xf32>
    %logistic3A = arith.negf %add3A_18 : vector<8192x32xf32>
    %logistic3A_19 = math.exp %logistic3A : vector<8192x32xf32>
    %logistic3A_20 = arith.constant 1.000000e+00 : f32
    %logistic3A_21 = vector.broadcast %logistic3A_20 : f32 to vector<8192x32xf32>
    %logistic3A_22 = arith.addf %logistic3A_21, %logistic3A_19 : vector<8192x32xf32>
    %logistic3A_23 = arith.divf %logistic3A_21, %logistic3A_22 : vector<8192x32xf32>
    %mul3A_24 = vector.broadcast %convert_element_type3A_6 : vector<1x32xf32> to vector<8192x32xf32>
    %mul3A_25 = arith.mulf %logistic3A_23, %mul3A_24 : vector<8192x32xf32>
    %swap3A = arith.constant 0 : index
    %swap3A_26 = arith.constant 0 : index
    %swap3A_27 = vector.load %arg5[%swap3A, %swap3A_26] : memref<8192x32xf32, #tpu.memory_space<vmem>>, vector<8192x32xf32>
    tpu.vector_store %arg5[%swap3A, %swap3A_26], %mul3A_25 {strides = array<i32>} : memref<8192x32xf32, #tpu.memory_space<vmem>>, vector<8192x32xf32>,
    return
  }
  func.func @transform_0(%arg0: i32) -> (i32, i32) {
    %c0_i32 = arith.constant 0 : i32
    %c0_i32_0 = arith.constant 0 : i32
    return %arg0, %c0_i32 : i32, i32
  }
  func.func @transform_1(%arg0: i32) -> (i32, i32) {
    %c0_i32 = arith.constant 0 : i32
    %c0_i32_0 = arith.constant 0 : i32
    %c0_i32_1 = arith.constant 0 : i32
    return %c0_i32, %c0_i32_0 : i32, i32
  }
  func.func @transform_2(%arg0: i32) -> (i32, i32) {
    %c0_i32 = arith.constant 0 : i32
    %c0_i32_0 = arith.constant 0 : i32
    %c0_i32_1 = arith.constant 0 : i32
    return %c0_i32, %c0_i32_0 : i32, i32
  }
  func.func @transform_3(%arg0: i32) -> (i32, i32) {
    %c0_i32 = arith.constant 0 : i32
    %c0_i32_0 = arith.constant 0 : i32
    %c0_i32_1 = arith.constant 0 : i32
    return %c0_i32, %c0_i32_0 : i32, i32
  }
  func.func @transform_4(%arg0: i32) -> (i32, i32) {
    %c0_i32 = arith.constant 0 : i32
    %c0_i32_0 = arith.constant 0 : i32
    return %arg0, %c0_i32 : i32, i32
  }
}

</mosaic_0001>

<sc_bundles>
// kernel: kernel.4.cloned.1.call-start
scs
__scs_entry_jumppad:
0x0: {  	(pc) =	sbr.rel $0x88, $3  }
0x1: {  	(tag) =	ssettag $0x0;
	lr =	simm.s32 $0x1  }
0x2: {  	[smem:$0x3F9B] =	sst lr;
	_ =	strace $0xD0000000  }
0x3: {  	_ = 	snop  }
0x4: {  	_ = 	snop  }
0x5: {  	_ = 	snop  }
0x6: {  	_ = 	snop  }
0x7: {  	_ = 	snop  }
__scs_overlays_trampoline_lowered:
0x8: {  	[smem:$0x3FAA] =	sst s0  }
0x9: {  	[smem:$0x3FAB] =	sst s1  }
0xa: {  	[smem:$0x3FAC] =	sst s2  }
0xb: {  	[smem:$0x3FAD] =	sst s3  }
0xc: {  	[smem:$0x3FAE] =	sst s4  }
0xd: {  	[smem:$0x3FAF] =	sst s5  }
0xe: {  	[smem:$0x3FB0] =	sst s6  }
0xf: {  	[smem:$0x3FB1] =	sst s7  }
0x10: {  	[smem:$0x3FB2] =	sst s8  }
0x11: {  	[smem:$0x3FB3] =	sst s9;
	s0 =	simm.s32 @!p0 $0x0  }
0x12: {  	s1 =	sld [smem:$0x3F99];
	s0 =	simm.s32 @p0 $0x1  }
0x13: {  	[smem:$0x3FB4] =	sst s0;
	s0 =	simm.s32 @!p1 $0x0  }
0x14: {  	s2 =	sld [smem:$0x3F98];
	s0 =	simm.s32 @p1 $0x1  }
0x15: {  	[smem:$0x3FB5] =	sst s0;
	s0 =	simm.s32 @!p2 $0x0  }
0x16: {  	s3 =	sld [smem:$0x3FDB];
	s0 =	simm.s32 @p2 $0x1  }
0x17: {  	s4 =	simm.s32 $0x1BF5;
	[smem:$0x3FB7] =	sst s0  }
0x18: {  	s0 =	sld [smem:$0x3F9A];
	_ =	swait.ge [sflag:s4], $0x0  }
0x19: {  	s7 =	sld [smem:$0x3F9B]  }
0x1a: {  	s8 =	sadd.s32 $0xFFFFE003, lr  }
0x1b: {  	s9 =	sadd.s32 $0xFFFFFEF7, lr;
	s5 =	simm.s32 $0xFFFFFFFF;
	p2 =	slt.u32 s8, $0xFFFFF086  }
0x1c: {  	p1 =	slt.u32 s9, $0xF7A;
	s5 =	simm.s32 @!p2 $0x0  }
0x1d: {  	s5 =	simm.s32 @p1 $0x1;
	p0 =	seq.s32 s7, s2  }
0x1e: {  	s7 =	smul.u32 @!p0 $0xF7A, s2;
	p2 =	seq.s32 @!p0 s5, $0x0  }
0x1f: {  	s9 =	smul.u32 $0xF7A, s1;
	s8 =	simm.s32 @!p0 $0x1BF5;
	p2 =	por !p2, p0  }
0x20: {  	[sflag:s8] =	ssyncset.s32 @!p0 $0xFFFFF086;
	s6 =	sadd.s32 @!p0 s3, s7;
	s7 =	simm.s32 @!p0 $0x108  }
0x21: {  	s3 =	sadd.s32 s3, s9;
	s6 =	sadd.s32 @!p0 $0x88, s6;
	s7 =	simm.s32 @p2 $0x1082  }
0x22: {  	[simem:s7], [sflag:s8] =	dma.local @!p0 [hbm:s6], $0xF7A  }
0x23: {  	s9 =	sor.u32 $0xD0000000, s2;
	s6 =	simm.s32 $0x108;
	_ =	swait.ge @!p0 [sflag:s8], $0x0  }
0x24: {  	s3 =	sadd.s32 $0x88, s3;
	s6 =	simm.s32 @!p1 $0x1082;
	[sflag:s4] =	ssyncset.s32 $0xFFFFF086  }
0x25: {  	[simem:s6], [sflag:s4] =	dma.local [hbm:s3], $0xF7A  }
0x26: {  	[smem:$0x3F9B] =	sst s1;
	(tag) =	ssettag s2;
	_ =	strace s9  }
0x27: {  	s1 =	sld [smem:$0x3FAB]  }
0x28: {  	s2 =	sld [smem:$0x3FAC]  }
0x29: {  	s4 =	sld [smem:$0x3FAE]  }
0x2a: {  	p0 =	seq.s32 s5, $0x0;
	s5 =	sld [smem:$0x3FAF]  }
0x2b: {  	s6 =	sld [smem:$0x3FB0]  }
0x2c: {  	s7 =	sld [smem:$0x3FB1]  }
0x2d: {  	s3 =	simm.s32 $0x108;
	s8 =	sld [smem:$0x3FB2]  }
0x2e: {  	s3 =	simm.s32 @!p0 $0x1082;
	s9 =	sld [smem:$0x3FB3]  }
0x2f: {  	lr =	sadd.s32 s0, s3;
	s0 =	sld [smem:$0x3FAA]  }
0x30: {  	s3 =	sld [smem:$0x3FAD]  }
0x31: {  	[smem:$0x3FB6] =	sst s10  }
0x32: {  	s10 =	sld [smem:$0x3FB4];
	_ =	sdelay $0x3  }
0x33: {  	p0 =	seq.s32 s10, $0x1;
	s10 =	sld [smem:$0x3FB6];
	_ =	sdelay $0x3  }
0x34: {  	[smem:$0x3FB6] =	sst s10  }
0x35: {  	s10 =	sld [smem:$0x3FB5];
	_ =	sdelay $0x3  }
0x36: {  	p1 =	seq.s32 s10, $0x1;
	s10 =	sld [smem:$0x3FB6];
	_ =	sdelay $0x3  }
0x37: {  	[smem:$0x3FB6] =	sst s10  }
0x38: {  	s10 =	sld [smem:$0x3FB7]  }
0x39: {  	_ = 	snop;
	(pc) =	sbr.ind lr, $3  }
0x3a: {  	_ = 	snop  }
0x3b: {  	_ = 	snop  }
0x3c: {  	p2 =	seq.s32 s10, $0x1;
	s10 =	sld [smem:$0x3FB6]  }
0x3d: {  	_ =	shalt  }
0x3e: {  	_ =	shalt  }
0x3f: {  	_ =	shalt  }
0x40: {  	_ =	shalt  }
0x41: {  	_ =	shalt  }
0x42: {  	_ =	shalt  }
0x43: {  	_ =	shalt  }
0x44: {  	_ =	shalt  }
0x45: {  	_ =	shalt  }
0x46: {  	_ =	shalt  }
0x47: {  	_ =	shalt  }
0x48: {  	_ =	shalt  }
0x49: {  	_ =	shalt  }
0x4a: {  	_ =	shalt  }
0x4b: {  	_ =	shalt  }
0x4c: {  	_ =	shalt  }
0x4d: {  	_ =	shalt  }
0x4e: {  	_ =	shalt  }
0x4f: {  	_ =	shalt  }
0x50: {  	_ =	shalt  }
0x51: {  	_ =	shalt  }
0x52: {  	_ =	shalt  }
0x53: {  	_ =	shalt  }
0x54: {  	_ =	shalt  }
0x55: {  	_ =	shalt  }
0x56: {  	_ =	shalt  }
0x57: {  	_ =	shalt  }
0x58: {  	_ =	shalt  }
0x59: {  	_ =	shalt  }
0x5a: {  	_ =	shalt  }
0x5b: {  	_ =	shalt  }
0x5c: {  	_ =	shalt  }
0x5d: {  	_ =	shalt  }
0x5e: {  	_ =	shalt  }
0x5f: {  	_ =	shalt  }
0x60: {  	_ =	shalt  }
0x61: {  	_ =	shalt  }
0x62: {  	_ =	shalt  }
0x63: {  	_ =	shalt  }
0x64: {  	_ =	shalt  }
0x65: {  	_ =	shalt  }
0x66: {  	_ =	shalt  }
0x67: {  	_ =	shalt  }
0x68: {  	_ =	shalt  }
0x69: {  	_ =	shalt  }
0x6a: {  	_ =	shalt  }
0x6b: {  	_ =	shalt  }
0x6c: {  	_ =	shalt  }
0x6d: {  	_ =	shalt  }
0x6e: {  	_ =	shalt  }
0x6f: {  	_ =	shalt  }
0x70: {  	_ =	shalt  }
0x71: {  	_ =	shalt  }
0x72: {  	_ =	shalt  }
0x73: {  	_ =	shalt  }
0x74: {  	_ =	shalt  }
0x75: {  	_ =	shalt  }
0x76: {  	_ =	shalt  }
0x77: {  	_ =	shalt  }
0x78: {  	_ =	shalt  }
0x79: {  	_ =	shalt  }
0x7a: {  	_ =	shalt  }
0x7b: {  	_ =	shalt  }
0x7c: {  	_ =	shalt  }
0x7d: {  	_ =	shalt  }
0x7e: {  	_ =	shalt  }
0x7f: {  	_ =	shalt  }
0x80: {  	_ =	shalt  }
0x81: {  	_ =	shalt  }
0x82: {  	_ =	shalt  }
0x83: {  	_ =	shalt  }
0x84: {  	_ =	shalt  }
0x85: {  	_ =	shalt  }
0x86: {  	_ =	shalt  }
0x87: {  	_ =	shalt  }
.Lfunc_end0:
.L_simem_size_0:
called_computation_lowered:
.L_overlay_start_0:
0x88: {  	s0 =	sld [smem:$0x3FD9]  }
0x89: {  	s1 =	sld [smem:$0x3FFE];
	_ =	sdelay $0x3  }
0x8a: {  	s0 =	sadd.s32 s1, s0  }
0x8b: {  	[smem:$0x3FC2] =	sst s0  }
0x8c: {  	_ = 	snop  }
0x8d: {  	s0 =	sld [smem:$0x3FC8]  }
0x8e: {  	s17 =	sld [smem:$0x3FC5]  }
0x8f: {  	s2 =	sld [smem:$0x3FC4]  }
0x90: {  	s3 =	sld [smem:$0x3FD0];
	(tm) =	ssettm $0x1  }
0x91: {  	s4 =	sld [smem:$0x3FFB];
	_ =	sdelay $0x3  }
0x92: {  	_ =	strace s4  }
0x93: {  	s4 =	sld [smem:$0x3FFC];
	_ =	sdelay $0x3  }
0x94: {  	_ =	strace s4  }
0x95: {  	s4 =	sld [smem:$0x3FFD];
	_ =	sdelay $0x3  }
0x96: {  	_ =	strace s4  }
0x97: {  	_ =	strace $0x8FFFFFFF  }
0x98: {  	s18 =	sld [smem:$0x3FDB];
	_ =	sdelay $0x1  }
0x99: {  	s5 =	simm.s32 $_scs_section_size  }
0x9a: {  	s6 =	simm.s32 $_size__tile_overlayer_lowered;
	s7 =	simm.s32 $_tile_overlayer_lowered  }
0x9b: {  	s21 =	simm.s32 $0x1BFF;
	s20 =	sshll.u32 s7, $0x1;
	s4 =	sadd.s32 s5, s18  }
0x9c: {  	s8 =	simm.s32 $0x0;
	s19 =	sshll.u32 s6, $0x1;
	s6 =	sadd.s32 s20, s4  }
0x9d: {  	[timem:s8], [sflag:s21] =	dma.local [hbm:s6], s19  }
0x9e: {  	_ =	swait.ge [sflag:s21], s19  }
0x9f: {  	s5 =	ssub.s32 $0x0, s19;
	[sflag:s21] =	ssyncset.done $0x0  }
0xa0: {  	[sflag:s21] =	ssyncadd.s32 s5;
	_ =	sdelay $0x1  }
0xa1: {  	s22 =	simm.s32 $0x1B8B  }
0xa2: {  	_ =	swait.ge [sflag:s22], $0x1  }
0xa3: {  	[sflag:s22] =	ssyncset.done $0x0  }
0xa4: {  	s23 =	simm.s32 $0x1B8E;
	[sflag:s22] =	ssyncadd.s32 $0xFFFFFFFF  }
0xa5: {  	s24 =	simm.s32 $execute0_lowered;
	[smem:$0x3FD2] =	sst s23  }
0xa6: {  	s5 =	sshll.u32 s24, $0x1;
	_ =	strace $0x80000046;
	[dreg:$0x1] =	wrdreg $0xFFFFFFFF  }
0xa7: {  	s25 =	simm.s32 $_size_execute0_lowered;
	s4 =	sadd.s32 s4, s5;
	[dreg:$0x0] =	wrdreg $0x0  }
0xa8: {  	s5 =	sshll.u32 s25, $0x1;
	[dreg:$0x2] =	wrdreg s4  }
0xa9: {  	[dreg:$0x3] =	wrdreg s5  }
0xaa: {  	[dreg:$0x4] =	wrdreg $0xC0  }
0xab: {  	_ =	task [dreg:s8], $0x5FFFF  }
0xac: {  	[dreg:$0x1] =	wrdreg $0xFFFFFFFF  }
0xad: {  	[dreg:$0x0] =	wrdreg $0x60  }
0xae: {  	[dreg:$0x2] =	wrdreg s17  }
0xaf: {  	[dreg:$0x3] =	wrdreg s2  }
0xb0: {  	[dreg:$0x4] =	wrdreg s0  }
0xb1: {  	[dreg:$0x5] =	wrdreg s3  }
0xb2: {  	[dreg:$0x6] =	wrdreg $0x9  }
0xb3: {  	_ =	task.clear_ibuf [dreg:s8], $0x7FFFF;
	_ =	strace $0x90000046  }
0xb4: {  	s26 =	simm.s32 $0x9;
	_ =	strace $0x80000048  }
0xb5: {  	_ =	swait.ge [sflag:s26], $0x1  }
0xb6: {  	[sflag:s26] =	ssyncadd.s32 $0xFFFFFFFF  }
0xb7: {  	_ =	strace $0x90000048  }
0xb8: {  	_ =	sfence  }
0xb9: {  	s28 =	sld [smem:$0x0];
	_ =	sdelay $0x1  }
0xba: {  	s29 =	srdreg.scid  }
0xbb: {  	s30 =	sshll.u32 s29, $0xD;
	s31 =	sshrl.u32 s29, $0x2  }
0xbc: {  	s1 =	sand.u32 $0x1, s29;
	s2 =	sand.u32 $0x4000, s30;
	s0 =	sadd.s32 s31, s28  }
0xbd: {  	s1 =	sor.u32 s2, s1;
	s0 =	sshll.u32 s0, $0x11  }
0xbe: {  	s0 =	sor.u32 s0, s1  }
0xbf: {  	s0 =	sadd.s32 $0x8F2B, s0  }
0xc0: {  	[sflag:s0] =	ssyncadd.remote.s32 $0x1  }
0xc1: {  	_ =	sfence.sel $0xFFFF  }
0xc2: {  	[dreg:$0x0] =	wrdreg $0xFFFFFFFF;
	(pc) =	sbr.abs _section_cstart, $3  }
0xc3: {  	[dreg:$0x1] =	wrdreg $0xFFFFFFFF  }
0xc4: {  	_ =	task.clear_ibuf [dreg:s8], $0x2FFFF;
	_ =	strace $0x9FFFFFFF  }
0xc5: {  	(tm) =	ssettm $0x7FFFFFFF  }
tec
execute0_lowered:
.L_overlay_start_1:
0x0: {  	(tag) =	ssettag $0x1  }
0x1: {  	s2 =	rddreg [dreg:$0x0]  }
0x2: {  	s4 =	rddreg [dreg:$0x1]  }
0x3: {  	s5 =	rddreg [dreg:$0x2]  }
0x4: {  	s1 =	rddreg [dreg:$0x3];
	s3 =	simm.s32 $0x0  }
0x5: {  	[smem:$0x7FF] =	sst s3  }
0x6: {  	s0 =	rddreg [dreg:$0x4];
	_ =	strace $0x80000047  }
0x7: {  	[tilespmem:s3], [sflag:$0x1] =	stream.linear.gather [hbm4b:s2+s3], $0x1000, $0x38;
	[tilespmem:$0x3900] =	vst v63  }
0x8: {  	s24 =	simm.s32 $0x1000  }
0x9: {  	[tilespmem:s24], [sflag:$0x2] =	stream.linear.gather [hbm4b:s4+s3], $0x1000, $0x38;
	[tilespmem:$0x3900] =	vst v63  }
0xa: {  	s25 =	simm.s32 $0x2000;
	s26 =	simm.s32 $0x1  }
0xb: {  	[tilespmem:s25], [sflag:$0x3] =	stream.linear.gather [hbm4b:s5+s3], $0x1000, $0x38;
	[tilespmem:$0x3900] =	vst v63  }
0xc: {  	_ =	swait.ge [sflag:s26], $0x1000  }
0xd: {  	[sflag:s26] =	ssyncset.done $0x0  }
0xe: {  	s28 =	simm.s32 $0x2;
	[sflag:s26] =	ssyncadd.s32 $0xFFFFF000  }
0xf: {  	_ =	swait.ge [sflag:s28], $0x1000  }
0x10: {  	[sflag:s28] =	ssyncset.done $0x0  }
0x11: {  	s29 =	simm.s32 $0x3;
	[sflag:s28] =	ssyncadd.s32 $0xFFFFF000  }
0x12: {  	_ =	swait.ge [sflag:s29], $0x1000  }
0x13: {  	[sflag:s29] =	ssyncset.done $0x0  }
0x14: {  	v2 =	vimm.f32 $0.0e+00;
	[sflag:s29] =	ssyncadd.s32 $0xFFFFF000  }
0x15: {  	[tilespmem:$0x3000] =	vst v2  }
0x16: {  	[tilespmem:$0x3010] =	vst v2  }
0x17: {  	[tilespmem:$0x3020] =	vst v2  }
0x18: {  	[tilespmem:$0x3030] =	vst v2  }
0x19: {  	[tilespmem:$0x3040] =	vst v2  }
0x1a: {  	[tilespmem:$0x3050] =	vst v2  }
0x1b: {  	[tilespmem:$0x3060] =	vst v2  }
0x1c: {  	[tilespmem:$0x3070] =	vst v2  }
0x1d: {  	[tilespmem:$0x3080] =	vst v2  }
0x1e: {  	[tilespmem:$0x3090] =	vst v2  }
0x1f: {  	[tilespmem:$0x30A0] =	vst v2  }
0x20: {  	[tilespmem:$0x30B0] =	vst v2  }
0x21: {  	[tilespmem:$0x30C0] =	vst v2  }
0x22: {  	[tilespmem:$0x30D0] =	vst v2  }
0x23: {  	[tilespmem:$0x30E0] =	vst v2  }
0x24: {  	[tilespmem:$0x30F0] =	vst v2  }
0x25: {  	[tilespmem:$0x3100] =	vst v2  }
0x26: {  	[tilespmem:$0x3110] =	vst v2  }
0x27: {  	[tilespmem:$0x3120] =	vst v2  }
0x28: {  	[tilespmem:$0x3130] =	vst v2  }
0x29: {  	[tilespmem:$0x3140] =	vst v2  }
0x2a: {  	[tilespmem:$0x3150] =	vst v2  }
0x2b: {  	[tilespmem:$0x3160] =	vst v2  }
0x2c: {  	[tilespmem:$0x3170] =	vst v2  }
0x2d: {  	[tilespmem:$0x3180] =	vst v2  }
0x2e: {  	[tilespmem:$0x3190] =	vst v2  }
0x2f: {  	[tilespmem:$0x31A0] =	vst v2  }
0x30: {  	[tilespmem:$0x31B0] =	vst v2  }
0x31: {  	[tilespmem:$0x31C0] =	vst v2  }
0x32: {  	[tilespmem:$0x31D0] =	vst v2  }
0x33: {  	[tilespmem:$0x31E0] =	vst v2  }
0x34: {  	[tilespmem:$0x31F0] =	vst v2  }
0x35: {  	[tilespmem:$0x3200] =	vst v2  }
0x36: {  	[tilespmem:$0x3210] =	vst v2  }
0x37: {  	[tilespmem:$0x3220] =	vst v2  }
0x38: {  	[tilespmem:$0x3230] =	vst v2  }
0x39: {  	[tilespmem:$0x3240] =	vst v2  }
0x3a: {  	[tilespmem:$0x3250] =	vst v2  }
0x3b: {  	[tilespmem:$0x3260] =	vst v2  }
0x3c: {  	[tilespmem:$0x3270] =	vst v2  }
0x3d: {  	[tilespmem:$0x3280] =	vst v2  }
0x3e: {  	[tilespmem:$0x3290] =	vst v2  }
0x3f: {  	[tilespmem:$0x32A0] =	vst v2  }
0x40: {  	[tilespmem:$0x32B0] =	vst v2  }
0x41: {  	[tilespmem:$0x32C0] =	vst v2  }
0x42: {  	[tilespmem:$0x32D0] =	vst v2  }
0x43: {  	[tilespmem:$0x32E0] =	vst v2  }
0x44: {  	[tilespmem:$0x32F0] =	vst v2  }
0x45: {  	[tilespmem:$0x3300] =	vst v2  }
0x46: {  	[tilespmem:$0x3310] =	vst v2  }
0x47: {  	[tilespmem:$0x3320] =	vst v2  }
0x48: {  	[tilespmem:$0x3330] =	vst v2  }
0x49: {  	[tilespmem:$0x3340] =	vst v2  }
0x4a: {  	[tilespmem:$0x3350] =	vst v2  }
0x4b: {  	[tilespmem:$0x3360] =	vst v2  }
0x4c: {  	[tilespmem:$0x3370] =	vst v2  }
0x4d: {  	[tilespmem:$0x3380] =	vst v2  }
0x4e: {  	[tilespmem:$0x3390] =	vst v2  }
0x4f: {  	[tilespmem:$0x33A0] =	vst v2  }
0x50: {  	[tilespmem:$0x33B0] =	vst v2  }
0x51: {  	[tilespmem:$0x33C0] =	vst v2  }
0x52: {  	[tilespmem:$0x33D0] =	vst v2  }
0x53: {  	[tilespmem:$0x33E0] =	vst v2  }
0x54: {  	[tilespmem:$0x33F0] =	vst v2  }
0x55: {  	[tilespmem:$0x3400] =	vst v2  }
0x56: {  	[tilespmem:$0x3410] =	vst v2  }
0x57: {  	[tilespmem:$0x3420] =	vst v2  }
0x58: {  	[tilespmem:$0x3430] =	vst v2  }
0x59: {  	[tilespmem:$0x3440] =	vst v2  }
0x5a: {  	[tilespmem:$0x3450] =	vst v2  }
0x5b: {  	[tilespmem:$0x3460] =	vst v2  }
0x5c: {  	[tilespmem:$0x3470] =	vst v2  }
0x5d: {  	[tilespmem:$0x3480] =	vst v2  }
0x5e: {  	[tilespmem:$0x3490] =	vst v2  }
0x5f: {  	[tilespmem:$0x34A0] =	vst v2  }
0x60: {  	[tilespmem:$0x34B0] =	vst v2  }
0x61: {  	[tilespmem:$0x34C0] =	vst v2  }
0x62: {  	[tilespmem:$0x34D0] =	vst v2  }
0x63: {  	[tilespmem:$0x34E0] =	vst v2  }
0x64: {  	[tilespmem:$0x34F0] =	vst v2  }
0x65: {  	[tilespmem:$0x3500] =	vst v2  }
0x66: {  	[tilespmem:$0x3510] =	vst v2  }
0x67: {  	[tilespmem:$0x3520] =	vst v2  }
0x68: {  	[tilespmem:$0x3530] =	vst v2  }
0x69: {  	[tilespmem:$0x3540] =	vst v2  }
0x6a: {  	[tilespmem:$0x3550] =	vst v2  }
0x6b: {  	[tilespmem:$0x3560] =	vst v2  }
0x6c: {  	[tilespmem:$0x3570] =	vst v2  }
0x6d: {  	[tilespmem:$0x3580] =	vst v2  }
0x6e: {  	[tilespmem:$0x3590] =	vst v2  }
0x6f: {  	[tilespmem:$0x35A0] =	vst v2  }
0x70: {  	[tilespmem:$0x35B0] =	vst v2  }
0x71: {  	[tilespmem:$0x35C0] =	vst v2  }
0x72: {  	[tilespmem:$0x35D0] =	vst v2  }
0x73: {  	[tilespmem:$0x35E0] =	vst v2  }
0x74: {  	[tilespmem:$0x35F0] =	vst v2  }
0x75: {  	[tilespmem:$0x3600] =	vst v2  }
0x76: {  	[tilespmem:$0x3610] =	vst v2  }
0x77: {  	[tilespmem:$0x3620] =	vst v2  }
0x78: {  	[tilespmem:$0x3630] =	vst v2  }
0x79: {  	[tilespmem:$0x3640] =	vst v2  }
0x7a: {  	[tilespmem:$0x3650] =	vst v2  }
0x7b: {  	[tilespmem:$0x3660] =	vst v2  }
0x7c: {  	[tilespmem:$0x3670] =	vst v2  }
0x7d: {  	[tilespmem:$0x3680] =	vst v2  }
0x7e: {  	[tilespmem:$0x3690] =	vst v2  }
0x7f: {  	[tilespmem:$0x36A0] =	vst v2  }
0x80: {  	[tilespmem:$0x36B0] =	vst v2  }
0x81: {  	[tilespmem:$0x36C0] =	vst v2  }
0x82: {  	[tilespmem:$0x36D0] =	vst v2  }
0x83: {  	[tilespmem:$0x36E0] =	vst v2  }
0x84: {  	[tilespmem:$0x36F0] =	vst v2  }
0x85: {  	[tilespmem:$0x3700] =	vst v2  }
0x86: {  	[tilespmem:$0x3710] =	vst v2  }
0x87: {  	[tilespmem:$0x3720] =	vst v2  }
0x88: {  	[tilespmem:$0x3730] =	vst v2  }
0x89: {  	[tilespmem:$0x3740] =	vst v2  }
0x8a: {  	[tilespmem:$0x3750] =	vst v2  }
0x8b: {  	[tilespmem:$0x3760] =	vst v2  }
0x8c: {  	[tilespmem:$0x3770] =	vst v2  }
0x8d: {  	[tilespmem:$0x3780] =	vst v2  }
0x8e: {  	[tilespmem:$0x3790] =	vst v2  }
0x8f: {  	[tilespmem:$0x37A0] =	vst v2  }
0x90: {  	[tilespmem:$0x37B0] =	vst v2  }
0x91: {  	[tilespmem:$0x37C0] =	vst v2  }
0x92: {  	v0 =	vlaneseq.u32;
	s2 =	stileid.u32;
	[tilespmem:$0x37D0] =	vst v2  }
0x93: {  	v1 =	vimm.f32 $0.0e+00;
	v5 =	vmul.u32 $0x80, v0;
	s30 =	sshll.u32 s2, $0x1;
	s31 =	sshllo.u32 s2, $0x1;
	[tilespmem:$0x37E0] =	vst v2  }
0x94: {  	v0 =	vimm.f32 $0.0e+00;
	v3 =	vmov s30;
	v4 =	vmov s31;
	s4 =	simm.s32 $0x3000;
	[tilespmem:$0x37F0] =	vst v2  }
.LBB2_1:
0x95: {  	s5 =	sshra.s32 s3, $0x2  }
0x96: {  	v6 =	vld [tilespmem:s5+$0x1000];
	_ =	sdelay $0x1  }
0x97: {  	v7 =	vld [tilespmem:s5+$0x0];
	_ =	sdelay $0x2  }
0x98: {  	v8 =	vsub.s32 v6, v3  }
0x99: {  	v9 =	vshll.u32 v8, $0x6  }
0x9a: {  	vm1 =	vlt.s32 v7, $0x40;
	vm0 =	vlt.u32 v8, $0x2;
	v7 =	vadd.s32 v9, v7  }
0x9b: {  	v54 =	vld [tilespmem:s5+$0x2000];
	vm0 =	vmand vm1, vm0;
	v7 =	vadd.s32 v5, v7  }
0x9c: {  	v7 =	vsel vm0, v7, v5;
	_ =	sdelay $0x3  }
0x9d: {  	v8 =	vnsel vm0, $0x0, v54  }
0x9e: {  	[tilespmem:v7+s4+$0x0] =	vst.idx.add.f32.msk vm0, v8  }
0x9f: {  	v7 =	vld [tilespmem:s5+$0x1010];
	_ =	sdelay $0x1  }
0xa0: {  	v8 =	vld [tilespmem:s5+$0x10];
	_ =	sdelay $0x2  }
0xa1: {  	v55 =	vsub.s32 v7, v3  }
0xa2: {  	v10 =	vshll.u32 v55, $0x6  }
0xa3: {  	vm4 =	vlt.s32 v8, $0x40;
	vm15 =	vlt.u32 v55, $0x2;
	v8 =	vadd.s32 v10, v8  }
0xa4: {  	v56 =	vld [tilespmem:s5+$0x2010];
	vm0 =	vmand vm4, vm15;
	v8 =	vadd.s32 v5, v8  }
0xa5: {  	v8 =	vsel vm0, v8, v5;
	_ =	sdelay $0x3  }
0xa6: {  	v9 =	vnsel vm0, $0x0, v56  }
0xa7: {  	[tilespmem:v8+s4+$0x0] =	vst.idx.add.f32.msk vm0, v9  }
0xa8: {  	v8 =	vld [tilespmem:s5+$0x1020];
	_ =	sdelay $0x1  }
0xa9: {  	v9 =	vld [tilespmem:s5+$0x20];
	_ =	sdelay $0x2  }
0xaa: {  	v57 =	vsub.s32 v8, v3  }
0xab: {  	v11 =	vshll.u32 v57, $0x6  }
0xac: {  	vm6 =	vlt.s32 v9, $0x40;
	vm5 =	vlt.u32 v57, $0x2;
	v9 =	vadd.s32 v11, v9  }
0xad: {  	v58 =	vld [tilespmem:s5+$0x2020];
	vm0 =	vmand vm6, vm5;
	v9 =	vadd.s32 v5, v9  }
0xae: {  	v9 =	vsel vm0, v9, v5;
	_ =	sdelay $0x3  }
0xaf: {  	v10 =	vnsel vm0, $0x0, v58  }
0xb0: {  	[tilespmem:v9+s4+$0x0] =	vst.idx.add.f32.msk vm0, v10  }
0xb1: {  	v9 =	vld [tilespmem:s5+$0x1030];
	_ =	sdelay $0x1  }
0xb2: {  	vm7 =	veq.s32 v6, v3;
	v10 =	vld [tilespmem:s5+$0x30]  }
0xb3: {  	vm8 =	veq.s32 v6, v4;
	v59 =	vsel vm7, $0x3F800000, v2  }
0xb4: {  	v6 =	vsel vm8, $0x3F800000, v2;
	v1 =	vadd.f32 v59, v1  }
0xb5: {  	v0 =	vadd.f32 v6, v0;
	vm9 =	veq.s32 v7, v3;
	v12 =	vsub.s32 v9, v3  }
0xb6: {  	vm2 =	veq.s32 v7, v4;
	v60 =	vsel vm9, $0x3F800000, v2;
	v6 =	vshll.u32 v12, $0x6  }
0xb7: {  	vm11 =	vlt.s32 v10, $0x40;
	vm10 =	vlt.u32 v12, $0x2;
	v6 =	vadd.s32 v6, v10  }
0xb8: {  	v61 =	vsel vm2, $0x3F800000, v2;
	v7 =	vld [tilespmem:s5+$0x2030];
	vm0 =	vmand vm11, vm10;
	v6 =	vadd.s32 v5, v6  }
0xb9: {  	p0 =	sne.s32 s3, $0x3F00;
	v1 =	vadd.f32 v60, v1;
	vm12 =	veq.s32 v8, v3;
	v6 =	vsel vm0, v6, v5  }
.Ltmp0:
0xba: {  	v0 =	vadd.f32 v61, v0;
	vm13 =	veq.s32 v8, v4;
	v62 =	vsel vm12, $0x3F800000, v2;
	(pc) =	sbr.rel @p0 .LBB2_1-.Ltmp0, $4  }
0xbb: {  	v8 =	vsel vm13, $0x3F800000, v2;
	v1 =	vadd.f32 v62, v1  }
0xbc: {  	v0 =	vadd.f32 v8, v0;
	vm14 =	veq.s32 v9, v3;
	vm15 =	veq.s32 v9, v4  }
0xbd: {  	v63 =	vsel vm14, $0x3F800000, v2;
	v9 =	vsel vm15, $0x3F800000, v2;
	v7 =	vnsel vm0, $0x0, v7  }
0xbe: {  	s3 =	sadd.s32 $0x100, s3;
	v1 =	vadd.f32 v63, v1;
	v0 =	vadd.f32 v9, v0;
	[tilespmem:v6+s4+$0x0] =	vst.idx.add.f32.msk vm0, v7  }
0xbf: {  	v2 =	vld [tilespmem:$0x3000]  }
0xc0: {  	v3 =	vld [tilespmem:$0x3080]  }
0xc1: {  	v4 =	vld [tilespmem:$0x3100]  }
0xc2: {  	v5 =	vld [tilespmem:$0x3180]  }
0xc3: {  	v11 =	vld [tilespmem:$0x3200]  }
0xc4: {  	v12 =	vld [tilespmem:$0x3280]  }
0xc5: {  	v13 =	vld [tilespmem:$0x3300]  }
0xc6: {  	v15 =	vld [tilespmem:$0x3380]  }
0xc7: {  	v18 =	vld [tilespmem:$0x3400]  }
0xc8: {  	v20 =	vld [tilespmem:$0x3480]  }
0xc9: {  	v33 =	vld [tilespmem:$0x3500]  }
0xca: {  	v6 =	vld [tilespmem:$0x3580]  }
0xcb: {  	v45 =	vld [tilespmem:$0x3600]  }
0xcc: {  	v46 =	vld [tilespmem:$0x3680]  }
0xcd: {  	v47 =	vld [tilespmem:$0x3700]  }
0xce: {  	v48 =	vld [tilespmem:$0x3780]  }
0xcf: {  	v7 =	vld [tilespmem:$0x3010]  }
0xd0: {  	v9 =	vld [tilespmem:$0x3090]  }
0xd1: {  	v21 =	vld [tilespmem:$0x3110]  }
0xd2: {  	v22 =	vld [tilespmem:$0x3190]  }
0xd3: {  	v23 =	vld [tilespmem:$0x3210]  }
0xd4: {  	v24 =	vld [tilespmem:$0x3290]  }
0xd5: {  	v25 =	vld [tilespmem:$0x3310]  }
0xd6: {  	v26 =	vld [tilespmem:$0x3390]  }
0xd7: {  	v27 =	vld [tilespmem:$0x3410]  }
0xd8: {  	v28 =	vld [tilespmem:$0x3490]  }
0xd9: {  	v29 =	vld [tilespmem:$0x3510]  }
0xda: {  	v30 =	vld [tilespmem:$0x3590]  }
0xdb: {  	v32 =	vld [tilespmem:$0x3610]  }
0xdc: {  	v49 =	vld [tilespmem:$0x3690]  }
0xdd: {  	v50 =	vld [tilespmem:$0x3710]  }
0xde: {  	v51 =	vld [tilespmem:$0x3790]  }
0xdf: {  	v10 =	vld [tilespmem:$0x3020]  }
0xe0: {  	v35 =	vld [tilespmem:$0x30A0]  }
0xe1: {  	v36 =	vld [tilespmem:$0x3120]  }
0xe2: {  	v37 =	vld [tilespmem:$0x31A0]  }
0xe3: {  	v38 =	vld [tilespmem:$0x3220]  }
0xe4: {  	v39 =	vld [tilespmem:$0x32A0]  }
0xe5: {  	v40 =	vld [tilespmem:$0x3320]  }
0xe6: {  	v41 =	vld [tilespmem:$0x33A0]  }
0xe7: {  	v42 =	vld [tilespmem:$0x3420]  }
0xe8: {  	v43 =	vld [tilespmem:$0x34A0]  }
0xe9: {  	v44 =	vld [tilespmem:$0x3520]  }
0xea: {  	v52 =	vld [tilespmem:$0x3130]  }
0xeb: {  	v53 =	vld [tilespmem:$0x31B0]  }
0xec: {  	v54 =	vld [tilespmem:$0x3230]  }
0xed: {  	v55 =	vld [tilespmem:$0x32B0]  }
0xee: {  	v56 =	vld [tilespmem:$0x3330]  }
0xef: {  	v57 =	vld [tilespmem:$0x33B0]  }
0xf0: {  	v58 =	vld [tilespmem:$0x3430]  }
0xf1: {  	v59 =	vld [tilespmem:$0x34B0]  }
0xf2: {  	v60 =	vld [tilespmem:$0x3530]  }
0xf3: {  	v61 =	vld [tilespmem:$0x35B0]  }
0xf4: {  	v62 =	vld [tilespmem:$0x3630]  }
0xf5: {  	v63 =	vld [tilespmem:$0x36B0]  }
0xf6: {  	v16 =	vld [tilespmem:$0x37B0]  }
0xf7: {  	v14 =	vld [tilespmem:$0x3040]  }
0xf8: {  	v8 =	vld [tilespmem:$0x30C0]  }
0xf9: {  	v17 =	vld [tilespmem:$0x3140]  }
0xfa: {  	v19 =	vld [tilespmem:$0x31C0]  }
0xfb: {  	v31 =	vld [tilespmem:$0x3240]  }
0xfc: {  	v34 =	vld [tilespmem:$0x32C0]  }
0xfd: {  	[tilespmem:$0x1FF70] =	vst v45;
	v45 =	vld [tilespmem:$0x35A0]  }
0xfe: {  	[tilespmem:$0x1FF80] =	vst v46;
	v46 =	vld [tilespmem:$0x3620]  }
0xff: {  	[tilespmem:$0x1FFA0] =	vst v47;
	v47 =	vld [tilespmem:$0x36A0]  }
0x100: {  	[tilespmem:$0x1FFC0] =	vst v48;
	v48 =	vld [tilespmem:$0x3720]  }
0x101: {  	[tilespmem:$0x1FF90] =	vst v49;
	v49 =	vld [tilespmem:$0x37A0]  }
0x102: {  	[tilespmem:$0x1FFB0] =	vst v50;
	v50 =	vld [tilespmem:$0x3030]  }
0x103: {  	[tilespmem:$0x1FFD0] =	vst v51;
	v51 =	vld [tilespmem:$0x30B0]  }
0x104: {  	[tilespmem:$0x1FF60] =	vst v6;
	v6 =	vld [tilespmem:$0x3730]  }
0x105: {  	[tilespmem:$0x1FFE0] =	vst v34;
	v34 =	vld [tilespmem:$0x3340]  }
0x106: {  	v2 =	vadd.f32 v3, v2;
	v3 =	vld [tilespmem:$0x33C0]  }
0x107: {  	v7 =	vadd.f32 v9, v7;
	v9 =	vld [tilespmem:$0x3440]  }
0x108: {  	v2 =	vadd.f32 v4, v2;
	v4 =	vadd.f32 v35, v10;
	v10 =	vld [tilespmem:$0x34C0]  }
0x109: {  	v35 =	vadd.f32 v21, v7;
	v21 =	vld [tilespmem:$0x3540]  }
0x10a: {  	v8 =	vadd.f32 v8, v14;
	v7 =	vld [tilespmem:$0x35C0]  }
0x10b: {  	v2 =	vadd.f32 v5, v2;
	v4 =	vadd.f32 v36, v4;
	v5 =	vld [tilespmem:$0x3640]  }
0x10c: {  	v8 =	vadd.f32 v17, v8;
	[tilespmem:$0x1FFF0] =	vst v34;
	v34 =	vld [tilespmem:$0x3460]  }
0x10d: {  	v36 =	vadd.f32 v37, v4;
	v4 =	vld [tilespmem:$0x36C0]  }
0x10e: {  	v8 =	vadd.f32 v19, v8;
	v2 =	vadd.f32 v11, v2;
	v11 =	vld [tilespmem:$0x3740]  }
0x10f: {  	v22 =	vadd.f32 v22, v35;
	v37 =	vld [tilespmem:$0x36D0]  }
0x110: {  	v50 =	vadd.f32 v51, v50;
	v8 =	vadd.f32 v31, v8;
	v31 =	vld [tilespmem:$0x33F0]  }
0x111: {  	v22 =	vadd.f32 v23, v22;
	v12 =	vadd.f32 v12, v2;
	v2 =	vld [tilespmem:$0x37C0]  }
0x112: {  	v52 =	vadd.f32 v52, v50;
	v51 =	vadd.f32 v38, v36;
	v36 =	vld [tilespmem:$0x35D0]  }
0x113: {  	v22 =	vadd.f32 v24, v22;
	v38 =	vld [tilespmem:$0x37D0]  }
0x114: {  	v50 =	vadd.f32 v53, v52;
	v52 =	vld [tilespmem:$0x3050]  }
0x115: {  	v22 =	vadd.f32 v25, v22;
	v25 =	vld [tilespmem:$0x3150]  }
0x116: {  	v53 =	vadd.f32 v39, v51;
	v39 =	vld [tilespmem:$0x3470]  }
0x117: {  	v12 =	vadd.f32 v13, v12;
	v23 =	vadd.f32 v54, v50;
	v54 =	vld [tilespmem:$0x30D0]  }
0x118: {  	v50 =	vld [tilespmem:$0x3170]  }
0x119: {  	v12 =	vadd.f32 v15, v12;
	v15 =	vld [tilespmem:$0x31D0]  }
0x11a: {  	v22 =	vadd.f32 v26, v22;
	v26 =	vld [tilespmem:$0x3250]  }
0x11b: {  	v13 =	vadd.f32 v40, v53;
	v40 =	vld [tilespmem:$0x34E0]  }
0x11c: {  	v23 =	vadd.f32 v55, v23;
	v55 =	vld [tilespmem:$0x1FF60]  }
0x11d: {  	v12 =	vadd.f32 v18, v12;
	v18 =	vld [tilespmem:$0x32D0]  }
0x11e: {  	v22 =	vadd.f32 v27, v22;
	v27 =	vld [tilespmem:$0x3350];
	v23 =	vadd.f32 v56, v23  }
0x11f: {  	v13 =	vadd.f32 v41, v13;
	v56 =	vld [tilespmem:$0x1FF70]  }
0x120: {  	v12 =	vadd.f32 v20, v12;
	v20 =	vld [tilespmem:$0x33D0];
	v23 =	vadd.f32 v57, v23  }
0x121: {  	v13 =	vadd.f32 v42, v13;
	v22 =	vadd.f32 v28, v22;
	v28 =	vld [tilespmem:$0x3450]  }
0x122: {  	v51 =	vadd.f32 v54, v52;
	v52 =	vld [tilespmem:$0x31E0];
	v23 =	vadd.f32 v58, v23  }
0x123: {  	v54 =	vld [tilespmem:$0x31F0];
	v13 =	vadd.f32 v43, v13  }
0x124: {  	v57 =	vld [tilespmem:$0x1FF80];
	v23 =	vadd.f32 v59, v23  }
0x125: {  	v12 =	vadd.f32 v33, v12;
	v58 =	vld [tilespmem:$0x1FF90];
	v13 =	vadd.f32 v44, v13  }
0x126: {  	v59 =	vld [tilespmem:$0x3060];
	v23 =	vadd.f32 v60, v23  }
0x127: {  	v12 =	vadd.f32 v55, v12;
	v13 =	vadd.f32 v45, v13;
	v45 =	vld [tilespmem:$0x1FFC0]  }
0x128: {  	v22 =	vadd.f32 v29, v22;
	v60 =	vld [tilespmem:$0x1FFA0];
	v23 =	vadd.f32 v61, v23  }
0x129: {  	v12 =	vadd.f32 v56, v12;
	v56 =	vld [tilespmem:$0x3260];
	v13 =	vadd.f32 v46, v13  }
0x12a: {  	v22 =	vadd.f32 v30, v22;
	v61 =	vld [tilespmem:$0x30E0];
	v23 =	vadd.f32 v62, v23  }
0x12b: {  	v12 =	vadd.f32 v57, v12;
	v46 =	vld [tilespmem:$0x30F0];
	v13 =	vadd.f32 v47, v13  }
0x12c: {  	v22 =	vadd.f32 v32, v22;
	v23 =	vadd.f32 v63, v23;
	v63 =	vld [tilespmem:$0x3070]  }
0x12d: {  	v12 =	vadd.f32 v60, v12;
	v13 =	vadd.f32 v48, v13;
	v48 =	vld [tilespmem:$0x3160]  }
0x12e: {  	v22 =	vadd.f32 v58, v22;
	v62 =	vld [tilespmem:$0x1FFB0];
	v6 =	vadd.f32 v6, v23  }
0x12f: {  	v57 =	vld [tilespmem:$0x3270];
	v12 =	vadd.f32 v45, v12;
	v53 =	vadd.f32 v61, v59  }
0x130: {  	v47 =	vld [tilespmem:$0x1FFD0];
	v6 =	vadd.f32 v16, v6;
	v16 =	vadd.f32 v25, v51  }
0x131: {  	v58 =	vld [tilespmem:$0x32E0];
	v13 =	vadd.f32 v49, v13;
	v55 =	vadd.f32 v46, v63  }
0x132: {  	v61 =	vld [tilespmem:$0x1FFE0];
	v17 =	vadd.f32 v48, v53;
	v15 =	vadd.f32 v15, v16  }
0x133: {  	v59 =	vld [tilespmem:$0x32F0];
	v22 =	vadd.f32 v62, v22;
	v14 =	vadd.f32 v50, v55  }
0x134: {  	v17 =	vadd.f32 v52, v17;
	v15 =	vadd.f32 v26, v15;
	v26 =	vld [tilespmem:$0x1FFF0]  }
0x135: {  	v60 =	vld [tilespmem:$0x3360];
	v22 =	vadd.f32 v47, v22;
	v14 =	vadd.f32 v54, v14  }
0x136: {  	v62 =	vld [tilespmem:$0x3370];
	v17 =	vadd.f32 v56, v17;
	v15 =	vadd.f32 v18, v15  }
0x137: {  	v63 =	vld [tilespmem:$0x33E0];
	v8 =	vadd.f32 v61, v8;
	v14 =	vadd.f32 v57, v14  }
0x138: {  	v41 =	vld [tilespmem:$0x34F0];
	v16 =	vadd.f32 v58, v17;
	v15 =	vadd.f32 v27, v15  }
0x139: {  	v33 =	vld [tilespmem:$0x34D0];
	v8 =	vadd.f32 v26, v8;
	v14 =	vadd.f32 v59, v14  }
0x13a: {  	v42 =	vld [tilespmem:$0x3560];
	v35 =	vadd.f32 v60, v16;
	v15 =	vadd.f32 v20, v15  }
0x13b: {  	v29 =	vld [tilespmem:$0x3550];
	v3 =	vadd.f32 v3, v8;
	v14 =	vadd.f32 v62, v14  }
0x13c: {  	v43 =	vld [tilespmem:$0x3570];
	v8 =	vadd.f32 v63, v35;
	v15 =	vadd.f32 v28, v15  }
0x13d: {  	v30 =	vld [tilespmem:$0x3650];
	v3 =	vadd.f32 v9, v3;
	v14 =	vadd.f32 v31, v14  }
0x13e: {  	v44 =	vld [tilespmem:$0x35E0];
	v8 =	vadd.f32 v34, v8;
	v15 =	vadd.f32 v33, v15  }
0x13f: {  	v32 =	vld [tilespmem:$0x3750];
	v3 =	vadd.f32 v10, v3;
	v14 =	vadd.f32 v39, v14  }
0x140: {  	v45 =	vld [tilespmem:$0x35F0];
	v8 =	vadd.f32 v40, v8;
	v15 =	vadd.f32 v29, v15  }
0x141: {  	v46 =	vld [tilespmem:$0x3660];
	v3 =	vadd.f32 v21, v3;
	v9 =	vadd.f32 v41, v14  }
0x142: {  	v48 =	vld [tilespmem:$0x3670];
	v47 =	vadd.f32 v42, v8;
	v15 =	vadd.f32 v36, v15  }
0x143: {  	v49 =	vld [tilespmem:$0x36E0];
	v3 =	vadd.f32 v7, v3;
	v9 =	vadd.f32 v43, v9  }
0x144: {  	v51 =	vld [tilespmem:$0x36F0];
	v50 =	vadd.f32 v44, v47;
	v15 =	vadd.f32 v30, v15  }
0x145: {  	v52 =	vld [tilespmem:$0x3760];
	v3 =	vadd.f32 v5, v3;
	v9 =	vadd.f32 v45, v9  }
0x146: {  	[tilespmem:$0x3840] =	vst v1;
	v54 =	vld [tilespmem:$0x3770];
	v53 =	vadd.f32 v46, v50;
	v55 =	vadd.f32 v37, v15  }
0x147: {  	[tilespmem:$0x3890] =	vst v0;
	v56 =	vld [tilespmem:$0x37E0];
	v3 =	vadd.f32 v4, v3;
	v8 =	vadd.f32 v48, v9  }
0x148: {  	[tilespmem:$0x3800] =	vst v12;
	v57 =	vld [tilespmem:$0x37F0];
	v4 =	vadd.f32 v49, v53;
	v58 =	vadd.f32 v32, v55  }
0x149: {  	[tilespmem:$0x3820] =	vst v13;
	v3 =	vadd.f32 v11, v3;
	v7 =	vadd.f32 v51, v8  }
0x14a: {  	[tilespmem:$0x3830] =	vst v6;
	v59 =	vadd.f32 v52, v4;
	v60 =	vadd.f32 v38, v58  }
0x14b: {  	[tilespmem:$0x3810] =	vst v22;
	v2 =	vadd.f32 v2, v3;
	v61 =	vadd.f32 v54, v7  }
0x14c: {  	v62 =	vadd.f32 v56, v59;
	[tilespmem:$0x3860] =	vst v60  }
0x14d: {  	s3 =	smul.u32 $0x14, s2;
	[tilespmem:$0x3850] =	vst v2;
	v63 =	vadd.f32 v57, v61  }
0x14e: {  	s30 =	simm.s32 $0x0;
	[tilespmem:$0x3870] =	vst v62  }
0x14f: {  	s4 =	simm.s32 $0x3800;
	s31 =	simm.s32 $0x4;
	s1 =	sadd.s32 s1, s3;
	[tilespmem:$0x3880] =	vst v63  }
0x150: {  	[hbm4b:s1+s30] =	stream.linear.scatter [tilespmem:s4], [sflag:$0x4], $0xA0, $0x38;
	[tilespmem:$0x3900] =	vst v63  }
0x151: {  	_ =	swait.ge [sflag:s31], $0xA0  }
0x152: {  	[sflag:s31] =	ssyncset.done $0x0  }
0x153: {  	[sflag:s31] =	ssyncadd.s32 $0xFFFFFF60  }
0x154: {  	_ =	sfence.sel $0x180000  }
0x155: {  	[bflag:$0x0] =	sbarrier.arrive $0xFFFF  }
0x156: {  	p0 =	sne.s32 s2, $0x0;
	_ =	strace $0x90000047  }
0x157: {  	s0 =	sadd.s32 @!p0 $0x100000, s0;
	[bflag:$0x2] =	sbarrier.arrive $0xFFFF  }
0x158: {  	[sflag:s0] =	ssyncadd.tile.s32 @!p0 $0x1;
	_ =	shalt  }
.Lfunc_end2:
_tile_overlayer_lowered:
.L_overlay_start_2:
0x159: {  	(tag) =	ssettag $0x2  }
0x15a: {  	s0 =	rddreg [dreg:$0x0];
	s2 =	stileid.u32  }
0x15b: {  	s1 =	rddreg [dreg:$0x1];
	p0 =	sne.s32 s2, $0x0  }
0x15c: {  	s3 =	rddreg [dreg:$0x2];
	[bflag:$0x3] =	sbarrier.arrive $0xFFFF;
	s2 =	simm.s32 @!p0 $0x1C04  }
0x15d: {  	[timem:s3], [sflag:s2] =	dma.local @!p0 [hbm:s0], s1  }
0x15e: {  	s0 =	simm.s32 @!p0 $0x4  }
0x15f: {  	_ =	swait.ge @!p0 [sflag:s0], s1  }
0x160: {  	s1 =	ssub.s32 @!p0 $0x0, s1;
	[sflag:s0] =	ssyncset.done @!p0 $0x0  }
0x161: {  	[sflag:s0] =	ssyncadd.s32 @!p0 s1  }
0x162: {  	[bflag:$0x3] =	sbarrier.arrive $0xFFFF  }
0x163: {  	_ =	shalt  }

</sc_bundles>
